<compile_context>
chip_gen: v7x
topology: tpu7x:2x2x1
jax: 0.10.2.dev20260603
libtpu: 0.0.44.dev20260713+nightly
codegen_flags: <defaults>
</compile_context>

<pallas_src>
import functools

import jax
import jax.numpy as jnp
from jax import lax
from jax.experimental import pallas as pl
from jax.experimental.pallas import tpu as pltpu
from jax.experimental.pallas import tpu_sc as plsc

PLAYER_DIM = 64
VENUE_DIM = 32
TEAM_DIM = 32
B = 16384

NC = 2
NS = 16
NW = NC * NS
BPW = B // NW
CHUNK = 128
NCHUNK = BPW // CHUNK


def _body(player_t, venue_t, team_t,
          batter_i, bowler_i, non_striker_i, venue_i, batting_i, bowling_i,
          batter_o, bowler_o, non_striker_o, venue_o, batting_o, bowling_o,
          idx_v, rows_p0, rows_p1, rows_s0, rows_s1, sem_g, sem_w):
    wid = lax.axis_index("s") * NC + lax.axis_index("c")
    row0 = wid * BPW

    lookups = [
        (player_t, batter_i, batter_o, rows_p0),
        (player_t, bowler_i, bowler_o, rows_p1),
        (player_t, non_striker_i, non_striker_o, rows_p0),
        (venue_t, venue_i, venue_o, rows_s0),
        (team_t, batting_i, batting_o, rows_s1),
        (team_t, bowling_i, bowling_o, rows_s0),
    ]

    for k, (_t, idx, _o, _r) in enumerate(lookups):
        pltpu.sync_copy(idx.at[pl.ds(wid * NCHUNK, NCHUNK)], idx_v.at[k])

    def fire_gather(k):
        table, _idx, _out, rows = lookups[k]
        cps = []
        for c in range(NCHUNK):
            cps.append(pltpu.async_copy(
                table.at[idx_v.at[k, c]],
                rows.at[pl.ds(c * CHUNK, CHUNK)], sem_g))
        return cps

    gathers = [fire_gather(0)]
    writes = [None] * 6
    for k in range(6):
        for cp in gathers[k]:
            cp.wait()
        if k >= 1:
            writes[k - 1].wait()
        if k + 1 < 6:
            gathers.append(fire_gather(k + 1))
        _table, _idx, out, rows = lookups[k]
        writes[k] = pltpu.async_copy(rows, out.at[pl.ds(row0, BPW)], sem_w)
    writes[5].wait()


@jax.jit
def _run(player_t, venue_t, team_t, batter_i, bowler_i, non_striker_i,
         venue_i, batting_i, bowling_i):
    f32 = jnp.float32
    out_type = (
        jax.ShapeDtypeStruct((B, PLAYER_DIM), f32),
        jax.ShapeDtypeStruct((B, PLAYER_DIM), f32),
        jax.ShapeDtypeStruct((B, PLAYER_DIM), f32),
        jax.ShapeDtypeStruct((B, VENUE_DIM), f32),
        jax.ShapeDtypeStruct((B, TEAM_DIM), f32),
        jax.ShapeDtypeStruct((B, TEAM_DIM), f32),
    )
    mesh = plsc.VectorSubcoreMesh(
        core_axis_name="c", subcore_axis_name="s",
        num_cores=NC, num_subcores=NS)
    kern = pl.kernel(
        _body,
        out_type,
        mesh=mesh,
        compiler_params=pltpu.CompilerParams(use_tc_tiling_on_sc=False),
        scratch_types=[
            pltpu.VMEM((6, NCHUNK, CHUNK), jnp.int32),
            pltpu.VMEM((BPW, PLAYER_DIM), f32),
            pltpu.VMEM((BPW, PLAYER_DIM), f32),
            pltpu.VMEM((BPW, VENUE_DIM), f32),
            pltpu.VMEM((BPW, TEAM_DIM), f32),
            pltpu.SemaphoreType.DMA,
            pltpu.SemaphoreType.DMA,
        ],
    )
    return kern(player_t, venue_t, team_t, batter_i, bowler_i,
                non_striker_i, venue_i, batting_i, bowling_i)


def kernel(player_table, venue_table, team_table, batter_idx, bowler_idx,
           non_striker_idx, venue_idx, batting_team_idx, bowling_team_idx):
    def prep(i):
        return i.astype(jnp.int32).reshape(B // CHUNK, CHUNK)
    return _run(player_table, venue_table, team_table,
                prep(batter_idx), prep(bowler_idx), prep(non_striker_idx),
                prep(venue_idx), prep(batting_team_idx), prep(bowling_team_idx))

# --- scband reference (transcript-rebuilt; emitter-appended) ---
"""Pipeline reference for scband-embedding-manager-46677704573237 (READ-ONLY COPY).

The authoritative reference and input builder live on the scoring server;
editing this copy changes nothing except your own understanding.
"""

import jax, jax.numpy as jnp
import numpy as np

NUM_PLAYERS = 1000000
NUM_VENUES = 1000
NUM_TEAMS = 1000
PLAYER_DIM = 64
VENUE_DIM = 32
TEAM_DIM = 32
B = 16384


def setup_inputs(seed: int = 0) -> dict:
    key = jax.random.key(seed)
    ks = jax.random.split(key, 9)
    # learned embedding tables (num+1 rows, matching nn.Embedding(num+1, dim))
    player_table = jax.random.normal(ks[0], (NUM_PLAYERS + 1, PLAYER_DIM), dtype=jnp.float32) * 0.1
    venue_table = jax.random.normal(ks[1], (NUM_VENUES + 1, VENUE_DIM), dtype=jnp.float32) * 0.1
    team_table = jax.random.normal(ks[2], (NUM_TEAMS + 1, TEAM_DIM), dtype=jnp.float32) * 0.1
    batter_idx = jax.random.randint(ks[3], (B,), 0, NUM_PLAYERS)
    bowler_idx = jax.random.randint(ks[4], (B,), 0, NUM_PLAYERS)
    non_striker_idx = jax.random.randint(ks[5], (B,), 0, NUM_PLAYERS)
    venue_idx = jax.random.randint(ks[6], (B,), 0, NUM_VENUES)
    batting_team_idx = jax.random.randint(ks[7], (B,), 0, NUM_TEAMS)
    bowling_team_idx = jax.random.randint(ks[8], (B,), 0, NUM_TEAMS)
    return {
        "player_table": player_table,
        "venue_table": venue_table,
        "team_table": team_table,
        "batter_idx": batter_idx,
        "bowler_idx": bowler_idx,
        "non_striker_idx": non_striker_idx,
        "venue_idx": venue_idx,
        "batting_team_idx": batting_team_idx,
        "bowling_team_idx": bowling_team_idx,
    }


def reference(player_table, venue_table, team_table, batter_idx, bowler_idx,
              non_striker_idx, venue_idx, batting_team_idx, bowling_team_idx):
    # EmbeddingManager.forward: six embedding lookups (gathers)
    batter = jnp.take(player_table, batter_idx, axis=0)
    bowler = jnp.take(player_table, bowler_idx, axis=0)
    non_striker = jnp.take(player_table, non_striker_idx, axis=0)
    venue = jnp.take(venue_table, venue_idx, axis=0)
    batting_team = jnp.take(team_table, batting_team_idx, axis=0)
    bowling_team = jnp.take(team_table, bowling_team_idx, axis=0)
    # returned as a tuple in dict-key order: batter, bowler, non_striker, venue, batting_team, bowling_team
    return (batter, bowler, non_striker, venue, batting_team, bowling_team)

if __name__ == "__main__":
    import jax
    _d = setup_inputs()
    print(jax.jit(kernel)(*tuple(_d.values())))

</pallas_src>

<mosaic_0001>
#map = affine_map<(d0, d1) -> (0, 0)>
module attributes {stable_mosaic.version = 14 : i64} {
  func.func @_body(%arg0: i32, %arg1: i32, %arg2: memref<1000001x64xf32, #tpu.memory_space<hbm>>, %arg3: memref<1001x32xf32, #tpu.memory_space<hbm>>, %arg4: memref<1001x32xf32, #tpu.memory_space<hbm>>, %arg5: memref<128x128xi32, #tpu.memory_space<hbm>>, %arg6: memref<128x128xi32, #tpu.memory_space<hbm>>, %arg7: memref<128x128xi32, #tpu.memory_space<hbm>>, %arg8: memref<128x128xi32, #tpu.memory_space<hbm>>, %arg9: memref<128x128xi32, #tpu.memory_space<hbm>>, %arg10: memref<128x128xi32, #tpu.memory_space<hbm>>, %arg11: memref<16384x64xf32, #tpu.memory_space<hbm>>, %arg12: memref<16384x64xf32, #tpu.memory_space<hbm>>, %arg13: memref<16384x64xf32, #tpu.memory_space<hbm>>, %arg14: memref<16384x32xf32, #tpu.memory_space<hbm>>, %arg15: memref<16384x32xf32, #tpu.memory_space<hbm>>, %arg16: memref<16384x32xf32, #tpu.memory_space<hbm>>, %arg17: memref<6x4x128xi32, #tpu.memory_space<vmem>>, %arg18: memref<512x64xf32, #tpu.memory_space<vmem>>, %arg19: memref<512x64xf32, #tpu.memory_space<vmem>>, %arg20: memref<512x32xf32, #tpu.memory_space<vmem>>, %arg21: memref<512x32xf32, #tpu.memory_space<vmem>>, %arg22: memref<!tpu.dma_semaphore, #tpu.memory_space<semaphore_mem>>, %arg23: memref<!tpu.dma_semaphore, #tpu.memory_space<semaphore_mem>>) attributes {dimension_semantics = [#tpu.dimension_semantics<core_parallel>, #tpu.dimension_semantics<subcore_parallel>], iteration_bounds = array<i64: 2, 16>, scalar_prefetch = 0 : i64, scratch_operands = 7 : i64, tpu.core_type = #tpu.core_type<sc_vector_subcore>, window_params = [{transform_indices = #map}, {transform_indices = #map}, {transform_indices = #map}, {transform_indices = #map}, {transform_indices = #map}, {transform_indices = #map}, {transform_indices = #map}, {transform_indices = #map}, {transform_indices = #map}, {transform_indices = #map}, {transform_indices = #map}, {transform_indices = #map}, {transform_indices = #map}, {transform_indices = #map}, {transform_indices = #map}]} {
    %mul3A = arith.constant 2 : i32
    %mul3A_0 = arith.muli %arg1, %mul3A : i32
    %add3A = arith.addi %mul3A_0, %arg0 : i32
    %mul3A_1 = arith.constant 512 : i32
    %mul3A_2 = arith.muli %add3A, %mul3A_1 : i32
    %mul3A_3 = arith.constant 4 : i32
    %mul3A_4 = arith.muli %add3A, %mul3A_3 : i32
    %run_scoped3A = arith.constant 0 : i32
    "tpu.region"() ({
      %run_scoped3A_594 = tpu.sem_alloc : memref<!tpu.dma_semaphore, #tpu.memory_space<semaphore_mem>>
      %dma_start3A_595 = arith.constant 0 : i32
      %dma_start3A_596 = arith.constant 0 : i32
      %dma_start3A_597 = tpu.memref_slice %arg17[%run_scoped3A, %dma_start3A_595, %dma_start3A_596] : memref<6x4x128xi32, #tpu.memory_space<vmem>> -> memref<1x4x128xi32, #tpu.memory_space<vmem>>
      %dma_start3A_598 = tpu.memref_squeeze %dma_start3A_597 : memref<1x4x128xi32, #tpu.memory_space<vmem>> -> memref<4x128xi32, #tpu.memory_space<vmem>>
      %dma_start3A_599 = arith.constant 0 : i32
      %dma_start3A_600 = tpu.memref_slice %arg5[%mul3A_4, %dma_start3A_599] : memref<128x128xi32, #tpu.memory_space<hbm>> -> memref<4x128xi32, #tpu.memory_space<hbm>>
      %dma_start3A_601 = arith.constant 0 : i32
      %dma_start3A_602 = arith.constant 0 : i32
      %dma_start3A_603 = tpu.memref_slice %arg17[%run_scoped3A, %dma_start3A_601, %dma_start3A_602] : memref<6x4x128xi32, #tpu.memory_space<vmem>> -> memref<1x4x128xi32, #tpu.memory_space<vmem>>
      %dma_start3A_604 = tpu.memref_squeeze %dma_start3A_603 : memref<1x4x128xi32, #tpu.memory_space<vmem>> -> memref<4x128xi32, #tpu.memory_space<vmem>>
      %dma_start3A_605 = arith.constant 0 : i32
      %dma_start3A_606 = tpu.memref_slice %arg5[%mul3A_4, %dma_start3A_605] : memref<128x128xi32, #tpu.memory_space<hbm>> -> memref<4x128xi32, #tpu.memory_space<hbm>>
      tpu.enqueue_dma source(%dma_start3A_606 : memref<4x128xi32, #tpu.memory_space<hbm>>) target(%dma_start3A_604 : memref<4x128xi32, #tpu.memory_space<vmem>>) target_semaphore(%run_scoped3A_594 : memref<!tpu.dma_semaphore, #tpu.memory_space<semaphore_mem>>)
      %dma_wait3A_607 = arith.constant 0 : i32
      %dma_wait3A_608 = arith.constant 0 : i32
      %dma_wait3A_609 = tpu.memref_slice %arg17[%run_scoped3A, %dma_wait3A_607, %dma_wait3A_608] : memref<6x4x128xi32, #tpu.memory_space<vmem>> -> memref<1x4x128xi32, #tpu.memory_space<vmem>>
      %dma_wait3A_610 = tpu.memref_squeeze %dma_wait3A_609 : memref<1x4x128xi32, #tpu.memory_space<vmem>> -> memref<4x128xi32, #tpu.memory_space<vmem>>
      %dma_wait3A_611 = arith.constant 0 : i32
      %dma_wait3A_612 = tpu.memref_slice %arg5[%mul3A_4, %dma_wait3A_611] : memref<128x128xi32, #tpu.memory_space<hbm>> -> memref<4x128xi32, #tpu.memory_space<hbm>>
      %dma_wait3A_613 = arith.constant 0 : i32
      %dma_wait3A_614 = arith.constant 0 : i32
      %dma_wait3A_615 = tpu.memref_slice %arg17[%run_scoped3A, %dma_wait3A_613, %dma_wait3A_614] : memref<6x4x128xi32, #tpu.memory_space<vmem>> -> memref<1x4x128xi32, #tpu.memory_space<vmem>>
      %dma_wait3A_616 = tpu.memref_squeeze %dma_wait3A_615 : memref<1x4x128xi32, #tpu.memory_space<vmem>> -> memref<4x128xi32, #tpu.memory_space<vmem>>
      %dma_wait3A_617 = arith.constant 0 : i32
      %dma_wait3A_618 = tpu.memref_slice %arg5[%mul3A_4, %dma_wait3A_617] : memref<128x128xi32, #tpu.memory_space<hbm>> -> memref<4x128xi32, #tpu.memory_space<hbm>>
      tpu.wait_dma2 semaphore(%run_scoped3A_594 : memref<!tpu.dma_semaphore, #tpu.memory_space<semaphore_mem>>) src(%dma_wait3A_618 : memref<4x128xi32, #tpu.memory_space<hbm>>) dst(%dma_wait3A_616 : memref<4x128xi32, #tpu.memory_space<vmem>>)
      tpu.yield
    }) : () -> ()
    %mul3A_5 = arith.constant 4 : i32
    %mul3A_6 = arith.muli %add3A, %mul3A_5 : i32
    %run_scoped3A_7 = arith.constant 1 : i32
    "tpu.region"() ({
      %run_scoped3A_594 = tpu.sem_alloc : memref<!tpu.dma_semaphore, #tpu.memory_space<semaphore_mem>>
      %dma_start3A_595 = arith.constant 0 : i32
      %dma_start3A_596 = arith.constant 0 : i32
      %dma_start3A_597 = tpu.memref_slice %arg17[%run_scoped3A_7, %dma_start3A_595, %dma_start3A_596] : memref<6x4x128xi32, #tpu.memory_space<vmem>> -> memref<1x4x128xi32, #tpu.memory_space<vmem>>
      %dma_start3A_598 = tpu.memref_squeeze %dma_start3A_597 : memref<1x4x128xi32, #tpu.memory_space<vmem>> -> memref<4x128xi32, #tpu.memory_space<vmem>>
      %dma_start3A_599 = arith.constant 0 : i32
      %dma_start3A_600 = tpu.memref_slice %arg6[%mul3A_6, %dma_start3A_599] : memref<128x128xi32, #tpu.memory_space<hbm>> -> memref<4x128xi32, #tpu.memory_space<hbm>>
      %dma_start3A_601 = arith.constant 0 : i32
      %dma_start3A_602 = arith.constant 0 : i32
      %dma_start3A_603 = tpu.memref_slice %arg17[%run_scoped3A_7, %dma_start3A_601, %dma_start3A_602] : memref<6x4x128xi32, #tpu.memory_space<vmem>> -> memref<1x4x128xi32, #tpu.memory_space<vmem>>
      %dma_start3A_604 = tpu.memref_squeeze %dma_start3A_603 : memref<1x4x128xi32, #tpu.memory_space<vmem>> -> memref<4x128xi32, #tpu.memory_space<vmem>>
      %dma_start3A_605 = arith.constant 0 : i32
      %dma_start3A_606 = tpu.memref_slice %arg6[%mul3A_6, %dma_start3A_605] : memref<128x128xi32, #tpu.memory_space<hbm>> -> memref<4x128xi32, #tpu.memory_space<hbm>>
      tpu.enqueue_dma source(%dma_start3A_606 : memref<4x128xi32, #tpu.memory_space<hbm>>) target(%dma_start3A_604 : memref<4x128xi32, #tpu.memory_space<vmem>>) target_semaphore(%run_scoped3A_594 : memref<!tpu.dma_semaphore, #tpu.memory_space<semaphore_mem>>)
      %dma_wait3A_607 = arith.constant 0 : i32
      %dma_wait3A_608 = arith.constant 0 : i32
      %dma_wait3A_609 = tpu.memref_slice %arg17[%run_scoped3A_7, %dma_wait3A_607, %dma_wait3A_608] : memref<6x4x128xi32, #tpu.memory_space<vmem>> -> memref<1x4x128xi32, #tpu.memory_space<vmem>>
      %dma_wait3A_610 = tpu.memref_squeeze %dma_wait3A_609 : memref<1x4x128xi32, #tpu.memory_space<vmem>> -> memref<4x128xi32, #tpu.memory_space<vmem>>
      %dma_wait3A_611 = arith.constant 0 : i32
      %dma_wait3A_612 = tpu.memref_slice %arg6[%mul3A_6, %dma_wait3A_611] : memref<128x128xi32, #tpu.memory_space<hbm>> -> memref<4x128xi32, #tpu.memory_space<hbm>>
      %dma_wait3A_613 = arith.constant 0 : i32
      %dma_wait3A_614 = arith.constant 0 : i32
      %dma_wait3A_615 = tpu.memref_slice %arg17[%run_scoped3A_7, %dma_wait3A_613, %dma_wait3A_614] : memref<6x4x128xi32, #tpu.memory_space<vmem>> -> memref<1x4x128xi32, #tpu.memory_space<vmem>>
      %dma_wait3A_616 = tpu.memref_squeeze %dma_wait3A_615 : memref<1x4x128xi32, #tpu.memory_space<vmem>> -> memref<4x128xi32, #tpu.memory_space<vmem>>
      %dma_wait3A_617 = arith.constant 0 : i32
      %dma_wait3A_618 = tpu.memref_slice %arg6[%mul3A_6, %dma_wait3A_617] : memref<128x128xi32, #tpu.memory_space<hbm>> -> memref<4x128xi32, #tpu.memory_space<hbm>>
      tpu.wait_dma2 semaphore(%run_scoped3A_594 : memref<!tpu.dma_semaphore, #tpu.memory_space<semaphore_mem>>) src(%dma_wait3A_618 : memref<4x128xi32, #tpu.memory_space<hbm>>) dst(%dma_wait3A_616 : memref<4x128xi32, #tpu.memory_space<vmem>>)
      tpu.yield
    }) : () -> ()
    %mul3A_8 = arith.constant 4 : i32
    %mul3A_9 = arith.muli %add3A, %mul3A_8 : i32
    %run_scoped3A_10 = arith.constant 2 : i32
    "tpu.region"() ({
      %run_scoped3A_594 = tpu.sem_alloc : memref<!tpu.dma_semaphore, #tpu.memory_space<semaphore_mem>>
      %dma_start3A_595 = arith.constant 0 : i32
      %dma_start3A_596 = arith.constant 0 : i32
      %dma_start3A_597 = tpu.memref_slice %arg17[%run_scoped3A_10, %dma_start3A_595, %dma_start3A_596] : memref<6x4x128xi32, #tpu.memory_space<vmem>> -> memref<1x4x128xi32, #tpu.memory_space<vmem>>
      %dma_start3A_598 = tpu.memref_squeeze %dma_start3A_597 : memref<1x4x128xi32, #tpu.memory_space<vmem>> -> memref<4x128xi32, #tpu.memory_space<vmem>>
      %dma_start3A_599 = arith.constant 0 : i32
      %dma_start3A_600 = tpu.memref_slice %arg7[%mul3A_9, %dma_start3A_599] : memref<128x128xi32, #tpu.memory_space<hbm>> -> memref<4x128xi32, #tpu.memory_space<hbm>>
      %dma_start3A_601 = arith.constant 0 : i32
      %dma_start3A_602 = arith.constant 0 : i32
      %dma_start3A_603 = tpu.memref_slice %arg17[%run_scoped3A_10, %dma_start3A_601, %dma_start3A_602] : memref<6x4x128xi32, #tpu.memory_space<vmem>> -> memref<1x4x128xi32, #tpu.memory_space<vmem>>
      %dma_start3A_604 = tpu.memref_squeeze %dma_start3A_603 : memref<1x4x128xi32, #tpu.memory_space<vmem>> -> memref<4x128xi32, #tpu.memory_space<vmem>>
      %dma_start3A_605 = arith.constant 0 : i32
      %dma_start3A_606 = tpu.memref_slice %arg7[%mul3A_9, %dma_start3A_605] : memref<128x128xi32, #tpu.memory_space<hbm>> -> memref<4x128xi32, #tpu.memory_space<hbm>>
      tpu.enqueue_dma source(%dma_start3A_606 : memref<4x128xi32, #tpu.memory_space<hbm>>) target(%dma_start3A_604 : memref<4x128xi32, #tpu.memory_space<vmem>>) target_semaphore(%run_scoped3A_594 : memref<!tpu.dma_semaphore, #tpu.memory_space<semaphore_mem>>)
      %dma_wait3A_607 = arith.constant 0 : i32
      %dma_wait3A_608 = arith.constant 0 : i32
      %dma_wait3A_609 = tpu.memref_slice %arg17[%run_scoped3A_10, %dma_wait3A_607, %dma_wait3A_608] : memref<6x4x128xi32, #tpu.memory_space<vmem>> -> memref<1x4x128xi32, #tpu.memory_space<vmem>>
      %dma_wait3A_610 = tpu.memref_squeeze %dma_wait3A_609 : memref<1x4x128xi32, #tpu.memory_space<vmem>> -> memref<4x128xi32, #tpu.memory_space<vmem>>
      %dma_wait3A_611 = arith.constant 0 : i32
      %dma_wait3A_612 = tpu.memref_slice %arg7[%mul3A_9, %dma_wait3A_611] : memref<128x128xi32, #tpu.memory_space<hbm>> -> memref<4x128xi32, #tpu.memory_space<hbm>>
      %dma_wait3A_613 = arith.constant 0 : i32
      %dma_wait3A_614 = arith.constant 0 : i32
      %dma_wait3A_615 = tpu.memref_slice %arg17[%run_scoped3A_10, %dma_wait3A_613, %dma_wait3A_614] : memref<6x4x128xi32, #tpu.memory_space<vmem>> -> memref<1x4x128xi32, #tpu.memory_space<vmem>>
      %dma_wait3A_616 = tpu.memref_squeeze %dma_wait3A_615 : memref<1x4x128xi32, #tpu.memory_space<vmem>> -> memref<4x128xi32, #tpu.memory_space<vmem>>
      %dma_wait3A_617 = arith.constant 0 : i32
      %dma_wait3A_618 = tpu.memref_slice %arg7[%mul3A_9, %dma_wait3A_617] : memref<128x128xi32, #tpu.memory_space<hbm>> -> memref<4x128xi32, #tpu.memory_space<hbm>>
      tpu.wait_dma2 semaphore(%run_scoped3A_594 : memref<!tpu.dma_semaphore, #tpu.memory_space<semaphore_mem>>) src(%dma_wait3A_618 : memref<4x128xi32, #tpu.memory_space<hbm>>) dst(%dma_wait3A_616 : memref<4x128xi32, #tpu.memory_space<vmem>>)
      tpu.yield
    }) : () -> ()
    %mul3A_11 = arith.constant 4 : i32
    %mul3A_12 = arith.muli %add3A, %mul3A_11 : i32
    %run_scoped3A_13 = arith.constant 3 : i32
    "tpu.region"() ({
      %run_scoped3A_594 = tpu.sem_alloc : memref<!tpu.dma_semaphore, #tpu.memory_space<semaphore_mem>>
      %dma_start3A_595 = arith.constant 0 : i32
      %dma_start3A_596 = arith.constant 0 : i32
      %dma_start3A_597 = tpu.memref_slice %arg17[%run_scoped3A_13, %dma_start3A_595, %dma_start3A_596] : memref<6x4x128xi32, #tpu.memory_space<vmem>> -> memref<1x4x128xi32, #tpu.memory_space<vmem>>
      %dma_start3A_598 = tpu.memref_squeeze %dma_start3A_597 : memref<1x4x128xi32, #tpu.memory_space<vmem>> -> memref<4x128xi32, #tpu.memory_space<vmem>>
      %dma_start3A_599 = arith.constant 0 : i32
      %dma_start3A_600 = tpu.memref_slice %arg8[%mul3A_12, %dma_start3A_599] : memref<128x128xi32, #tpu.memory_space<hbm>> -> memref<4x128xi32, #tpu.memory_space<hbm>>
      %dma_start3A_601 = arith.constant 0 : i32
      %dma_start3A_602 = arith.constant 0 : i32
      %dma_start3A_603 = tpu.memref_slice %arg17[%run_scoped3A_13, %dma_start3A_601, %dma_start3A_602] : memref<6x4x128xi32, #tpu.memory_space<vmem>> -> memref<1x4x128xi32, #tpu.memory_space<vmem>>
      %dma_start3A_604 = tpu.memref_squeeze %dma_start3A_603 : memref<1x4x128xi32, #tpu.memory_space<vmem>> -> memref<4x128xi32, #tpu.memory_space<vmem>>
      %dma_start3A_605 = arith.constant 0 : i32
      %dma_start3A_606 = tpu.memref_slice %arg8[%mul3A_12, %dma_start3A_605] : memref<128x128xi32, #tpu.memory_space<hbm>> -> memref<4x128xi32, #tpu.memory_space<hbm>>
      tpu.enqueue_dma source(%dma_start3A_606 : memref<4x128xi32, #tpu.memory_space<hbm>>) target(%dma_start3A_604 : memref<4x128xi32, #tpu.memory_space<vmem>>) target_semaphore(%run_scoped3A_594 : memref<!tpu.dma_semaphore, #tpu.memory_space<semaphore_mem>>)
      %dma_wait3A_607 = arith.constant 0 : i32
      %dma_wait3A_608 = arith.constant 0 : i32
      %dma_wait3A_609 = tpu.memref_slice %arg17[%run_scoped3A_13, %dma_wait3A_607, %dma_wait3A_608] : memref<6x4x128xi32, #tpu.memory_space<vmem>> -> memref<1x4x128xi32, #tpu.memory_space<vmem>>
      %dma_wait3A_610 = tpu.memref_squeeze %dma_wait3A_609 : memref<1x4x128xi32, #tpu.memory_space<vmem>> -> memref<4x128xi32, #tpu.memory_space<vmem>>
      %dma_wait3A_611 = arith.constant 0 : i32
      %dma_wait3A_612 = tpu.memref_slice %arg8[%mul3A_12, %dma_wait3A_611] : memref<128x128xi32, #tpu.memory_space<hbm>> -> memref<4x128xi32, #tpu.memory_space<hbm>>
      %dma_wait3A_613 = arith.constant 0 : i32
      %dma_wait3A_614 = arith.constant 0 : i32
      %dma_wait3A_615 = tpu.memref_slice %arg17[%run_scoped3A_13, %dma_wait3A_613, %dma_wait3A_614] : memref<6x4x128xi32, #tpu.memory_space<vmem>> -> memref<1x4x128xi32, #tpu.memory_space<vmem>>
      %dma_wait3A_616 = tpu.memref_squeeze %dma_wait3A_615 : memref<1x4x128xi32, #tpu.memory_space<vmem>> -> memref<4x128xi32, #tpu.memory_space<vmem>>
      %dma_wait3A_617 = arith.constant 0 : i32
      %dma_wait3A_618 = tpu.memref_slice %arg8[%mul3A_12, %dma_wait3A_617] : memref<128x128xi32, #tpu.memory_space<hbm>> -> memref<4x128xi32, #tpu.memory_space<hbm>>
      tpu.wait_dma2 semaphore(%run_scoped3A_594 : memref<!tpu.dma_semaphore, #tpu.memory_space<semaphore_mem>>) src(%dma_wait3A_618 : memref<4x128xi32, #tpu.memory_space<hbm>>) dst(%dma_wait3A_616 : memref<4x128xi32, #tpu.memory_space<vmem>>)
      tpu.yield
    }) : () -> ()
    %mul3A_14 = arith.constant 4 : i32
    %mul3A_15 = arith.muli %add3A, %mul3A_14 : i32
    %run_scoped3A_16 = arith.constant 4 : i32
    "tpu.region"() ({
      %run_scoped3A_594 = tpu.sem_alloc : memref<!tpu.dma_semaphore, #tpu.memory_space<semaphore_mem>>
      %dma_start3A_595 = arith.constant 0 : i32
      %dma_start3A_596 = arith.constant 0 : i32
      %dma_start3A_597 = tpu.memref_slice %arg17[%run_scoped3A_16, %dma_start3A_595, %dma_start3A_596] : memref<6x4x128xi32, #tpu.memory_space<vmem>> -> memref<1x4x128xi32, #tpu.memory_space<vmem>>
      %dma_start3A_598 = tpu.memref_squeeze %dma_start3A_597 : memref<1x4x128xi32, #tpu.memory_space<vmem>> -> memref<4x128xi32, #tpu.memory_space<vmem>>
      %dma_start3A_599 = arith.constant 0 : i32
      %dma_start3A_600 = tpu.memref_slice %arg9[%mul3A_15, %dma_start3A_599] : memref<128x128xi32, #tpu.memory_space<hbm>> -> memref<4x128xi32, #tpu.memory_space<hbm>>
      %dma_start3A_601 = arith.constant 0 : i32
      %dma_start3A_602 = arith.constant 0 : i32
      %dma_start3A_603 = tpu.memref_slice %arg17[%run_scoped3A_16, %dma_start3A_601, %dma_start3A_602] : memref<6x4x128xi32, #tpu.memory_space<vmem>> -> memref<1x4x128xi32, #tpu.memory_space<vmem>>
      %dma_start3A_604 = tpu.memref_squeeze %dma_start3A_603 : memref<1x4x128xi32, #tpu.memory_space<vmem>> -> memref<4x128xi32, #tpu.memory_space<vmem>>
      %dma_start3A_605 = arith.constant 0 : i32
      %dma_start3A_606 = tpu.memref_slice %arg9[%mul3A_15, %dma_start3A_605] : memref<128x128xi32, #tpu.memory_space<hbm>> -> memref<4x128xi32, #tpu.memory_space<hbm>>
      tpu.enqueue_dma source(%dma_start3A_606 : memref<4x128xi32, #tpu.memory_space<hbm>>) target(%dma_start3A_604 : memref<4x128xi32, #tpu.memory_space<vmem>>) target_semaphore(%run_scoped3A_594 : memref<!tpu.dma_semaphore, #tpu.memory_space<semaphore_mem>>)
      %dma_wait3A_607 = arith.constant 0 : i32
      %dma_wait3A_608 = arith.constant 0 : i32
      %dma_wait3A_609 = tpu.memref_slice %arg17[%run_scoped3A_16, %dma_wait3A_607, %dma_wait3A_608] : memref<6x4x128xi32, #tpu.memory_space<vmem>> -> memref<1x4x128xi32, #tpu.memory_space<vmem>>
      %dma_wait3A_610 = tpu.memref_squeeze %dma_wait3A_609 : memref<1x4x128xi32, #tpu.memory_space<vmem>> -> memref<4x128xi32, #tpu.memory_space<vmem>>
      %dma_wait3A_611 = arith.constant 0 : i32
      %dma_wait3A_612 = tpu.memref_slice %arg9[%mul3A_15, %dma_wait3A_611] : memref<128x128xi32, #tpu.memory_space<hbm>> -> memref<4x128xi32, #tpu.memory_space<hbm>>
      %dma_wait3A_613 = arith.constant 0 : i32
      %dma_wait3A_614 = arith.constant 0 : i32
      %dma_wait3A_615 = tpu.memref_slice %arg17[%run_scoped3A_16, %dma_wait3A_613, %dma_wait3A_614] : memref<6x4x128xi32, #tpu.memory_space<vmem>> -> memref<1x4x128xi32, #tpu.memory_space<vmem>>
      %dma_wait3A_616 = tpu.memref_squeeze %dma_wait3A_615 : memref<1x4x128xi32, #tpu.memory_space<vmem>> -> memref<4x128xi32, #tpu.memory_space<vmem>>
      %dma_wait3A_617 = arith.constant 0 : i32
      %dma_wait3A_618 = tpu.memref_slice %arg9[%mul3A_15, %dma_wait3A_617] : memref<128x128xi32, #tpu.memory_space<hbm>> -> memref<4x128xi32, #tpu.memory_space<hbm>>
      tpu.wait_dma2 semaphore(%run_scoped3A_594 : memref<!tpu.dma_semaphore, #tpu.memory_space<semaphore_mem>>) src(%dma_wait3A_618 : memref<4x128xi32, #tpu.memory_space<hbm>>) dst(%dma_wait3A_616 : memref<4x128xi32, #tpu.memory_space<vmem>>)
      tpu.yield
    }) : () -> ()
    %mul3A_17 = arith.constant 4 : i32
    %mul3A_18 = arith.muli %add3A, %mul3A_17 : i32
    %run_scoped3A_19 = arith.constant 5 : i32
    "tpu.region"() ({
      %run_scoped3A_594 = tpu.sem_alloc : memref<!tpu.dma_semaphore, #tpu.memory_space<semaphore_mem>>
      %dma_start3A_595 = arith.constant 0 : i32
      %dma_start3A_596 = arith.constant 0 : i32
      %dma_start3A_597 = tpu.memref_slice %arg17[%run_scoped3A_19, %dma_start3A_595, %dma_start3A_596] : memref<6x4x128xi32, #tpu.memory_space<vmem>> -> memref<1x4x128xi32, #tpu.memory_space<vmem>>
      %dma_start3A_598 = tpu.memref_squeeze %dma_start3A_597 : memref<1x4x128xi32, #tpu.memory_space<vmem>> -> memref<4x128xi32, #tpu.memory_space<vmem>>
      %dma_start3A_599 = arith.constant 0 : i32
      %dma_start3A_600 = tpu.memref_slice %arg10[%mul3A_18, %dma_start3A_599] : memref<128x128xi32, #tpu.memory_space<hbm>> -> memref<4x128xi32, #tpu.memory_space<hbm>>
      %dma_start3A_601 = arith.constant 0 : i32
      %dma_start3A_602 = arith.constant 0 : i32
      %dma_start3A_603 = tpu.memref_slice %arg17[%run_scoped3A_19, %dma_start3A_601, %dma_start3A_602] : memref<6x4x128xi32, #tpu.memory_space<vmem>> -> memref<1x4x128xi32, #tpu.memory_space<vmem>>
      %dma_start3A_604 = tpu.memref_squeeze %dma_start3A_603 : memref<1x4x128xi32, #tpu.memory_space<vmem>> -> memref<4x128xi32, #tpu.memory_space<vmem>>
      %dma_start3A_605 = arith.constant 0 : i32
      %dma_start3A_606 = tpu.memref_slice %arg10[%mul3A_18, %dma_start3A_605] : memref<128x128xi32, #tpu.memory_space<hbm>> -> memref<4x128xi32, #tpu.memory_space<hbm>>
      tpu.enqueue_dma source(%dma_start3A_606 : memref<4x128xi32, #tpu.memory_space<hbm>>) target(%dma_start3A_604 : memref<4x128xi32, #tpu.memory_space<vmem>>) target_semaphore(%run_scoped3A_594 : memref<!tpu.dma_semaphore, #tpu.memory_space<semaphore_mem>>)
      %dma_wait3A_607 = arith.constant 0 : i32
      %dma_wait3A_608 = arith.constant 0 : i32
      %dma_wait3A_609 = tpu.memref_slice %arg17[%run_scoped3A_19, %dma_wait3A_607, %dma_wait3A_608] : memref<6x4x128xi32, #tpu.memory_space<vmem>> -> memref<1x4x128xi32, #tpu.memory_space<vmem>>
      %dma_wait3A_610 = tpu.memref_squeeze %dma_wait3A_609 : memref<1x4x128xi32, #tpu.memory_space<vmem>> -> memref<4x128xi32, #tpu.memory_space<vmem>>
      %dma_wait3A_611 = arith.constant 0 : i32
      %dma_wait3A_612 = tpu.memref_slice %arg10[%mul3A_18, %dma_wait3A_611] : memref<128x128xi32, #tpu.memory_space<hbm>> -> memref<4x128xi32, #tpu.memory_space<hbm>>
      %dma_wait3A_613 = arith.constant 0 : i32
      %dma_wait3A_614 = arith.constant 0 : i32
      %dma_wait3A_615 = tpu.memref_slice %arg17[%run_scoped3A_19, %dma_wait3A_613, %dma_wait3A_614] : memref<6x4x128xi32, #tpu.memory_space<vmem>> -> memref<1x4x128xi32, #tpu.memory_space<vmem>>
      %dma_wait3A_616 = tpu.memref_squeeze %dma_wait3A_615 : memref<1x4x128xi32, #tpu.memory_space<vmem>> -> memref<4x128xi32, #tpu.memory_space<vmem>>
      %dma_wait3A_617 = arith.constant 0 : i32
      %dma_wait3A_618 = tpu.memref_slice %arg10[%mul3A_18, %dma_wait3A_617] : memref<128x128xi32, #tpu.memory_space<hbm>> -> memref<4x128xi32, #tpu.memory_space<hbm>>
      tpu.wait_dma2 semaphore(%run_scoped3A_594 : memref<!tpu.dma_semaphore, #tpu.memory_space<semaphore_mem>>) src(%dma_wait3A_618 : memref<4x128xi32, #tpu.memory_space<hbm>>) dst(%dma_wait3A_616 : memref<4x128xi32, #tpu.memory_space<vmem>>)
      tpu.yield
    }) : () -> ()
    %dma_start3A = arith.constant 0 : i32
    %dma_start3A_20 = arith.constant 0 : i32
    %dma_start3A_21 = arith.constant 0 : i32
    %dma_start3A_22 = arith.constant 0 : i32
    %dma_start3A_23 = tpu.memref_slice %arg18[%dma_start3A_21, %dma_start3A_22] : memref<512x64xf32, #tpu.memory_space<vmem>> -> memref<128x64xf32, #tpu.memory_space<vmem>>
    %dma_start3A_24 = arith.constant 0 : i32
    %dma_start3A_25 = tpu.memref_slice %arg17[%dma_start3A, %dma_start3A_20, %dma_start3A_24] : memref<6x4x128xi32, #tpu.memory_space<vmem>> -> memref<1x1x128xi32, #tpu.memory_space<vmem>>
    %dma_start3A_26 = tpu.memref_squeeze %dma_start3A_25 : memref<1x1x128xi32, #tpu.memory_space<vmem>> -> memref<128xi32, #tpu.memory_space<vmem>>
    %dma_start3A_27 = arith.constant 0 : i32
    %dma_start3A_28 = arith.constant 0 : i32
    %dma_start3A_29 = tpu.memref_slice %arg2[%dma_start3A_27, %dma_start3A_28] : memref<1000001x64xf32, #tpu.memory_space<hbm>> -> memref<1000001x64xf32, #tpu.memory_space<hbm>>
    tpu.enqueue_indirect_dma source(%dma_start3A_29 : memref<1000001x64xf32, #tpu.memory_space<hbm>>) target(%dma_start3A_23 : memref<128x64xf32, #tpu.memory_space<vmem>>) offsets(%dma_start3A_26 : memref<128xi32, #tpu.memory_space<vmem>>) semaphore(%arg22 : memref<!tpu.dma_semaphore, #tpu.memory_space<semaphore_mem>>)
    %dma_start3A_30 = arith.constant 0 : i32
    %dma_start3A_31 = arith.constant 1 : i32
    %dma_start3A_32 = arith.constant 128 : i32
    %dma_start3A_33 = arith.constant 0 : i32
    %dma_start3A_34 = tpu.memref_slice %arg18[%dma_start3A_32, %dma_start3A_33] : memref<512x64xf32, #tpu.memory_space<vmem>> -> memref<128x64xf32, #tpu.memory_space<vmem>>
    %dma_start3A_35 = arith.constant 0 : i32
    %dma_start3A_36 = tpu.memref_slice %arg17[%dma_start3A_30, %dma_start3A_31, %dma_start3A_35] : memref<6x4x128xi32, #tpu.memory_space<vmem>> -> memref<1x1x128xi32, #tpu.memory_space<vmem>>
    %dma_start3A_37 = tpu.memref_squeeze %dma_start3A_36 : memref<1x1x128xi32, #tpu.memory_space<vmem>> -> memref<128xi32, #tpu.memory_space<vmem>>
    %dma_start3A_38 = arith.constant 0 : i32
    %dma_start3A_39 = arith.constant 0 : i32
    %dma_start3A_40 = tpu.memref_slice %arg2[%dma_start3A_38, %dma_start3A_39] : memref<1000001x64xf32, #tpu.memory_space<hbm>> -> memref<1000001x64xf32, #tpu.memory_space<hbm>>
    tpu.enqueue_indirect_dma source(%dma_start3A_40 : memref<1000001x64xf32, #tpu.memory_space<hbm>>) target(%dma_start3A_34 : memref<128x64xf32, #tpu.memory_space<vmem>>) offsets(%dma_start3A_37 : memref<128xi32, #tpu.memory_space<vmem>>) semaphore(%arg22 : memref<!tpu.dma_semaphore, #tpu.memory_space<semaphore_mem>>)
    %dma_start3A_41 = arith.constant 0 : i32
    %dma_start3A_42 = arith.constant 2 : i32
    %dma_start3A_43 = arith.constant 256 : i32
    %dma_start3A_44 = arith.constant 0 : i32
    %dma_start3A_45 = tpu.memref_slice %arg18[%dma_start3A_43, %dma_start3A_44] : memref<512x64xf32, #tpu.memory_space<vmem>> -> memref<128x64xf32, #tpu.memory_space<vmem>>
    %dma_start3A_46 = arith.constant 0 : i32
    %dma_start3A_47 = tpu.memref_slice %arg17[%dma_start3A_41, %dma_start3A_42, %dma_start3A_46] : memref<6x4x128xi32, #tpu.memory_space<vmem>> -> memref<1x1x128xi32, #tpu.memory_space<vmem>>
    %dma_start3A_48 = tpu.memref_squeeze %dma_start3A_47 : memref<1x1x128xi32, #tpu.memory_space<vmem>> -> memref<128xi32, #tpu.memory_space<vmem>>
    %dma_start3A_49 = arith.constant 0 : i32
    %dma_start3A_50 = arith.constant 0 : i32
    %dma_start3A_51 = tpu.memref_slice %arg2[%dma_start3A_49, %dma_start3A_50] : memref<1000001x64xf32, #tpu.memory_space<hbm>> -> memref<1000001x64xf32, #tpu.memory_space<hbm>>
    tpu.enqueue_indirect_dma source(%dma_start3A_51 : memref<1000001x64xf32, #tpu.memory_space<hbm>>) target(%dma_start3A_45 : memref<128x64xf32, #tpu.memory_space<vmem>>) offsets(%dma_start3A_48 : memref<128xi32, #tpu.memory_space<vmem>>) semaphore(%arg22 : memref<!tpu.dma_semaphore, #tpu.memory_space<semaphore_mem>>)
    %dma_start3A_52 = arith.constant 0 : i32
    %dma_start3A_53 = arith.constant 3 : i32
    %dma_start3A_54 = arith.constant 384 : i32
    %dma_start3A_55 = arith.constant 0 : i32
    %dma_start3A_56 = tpu.memref_slice %arg18[%dma_start3A_54, %dma_start3A_55] : memref<512x64xf32, #tpu.memory_space<vmem>> -> memref<128x64xf32, #tpu.memory_space<vmem>>
    %dma_start3A_57 = arith.constant 0 : i32
    %dma_start3A_58 = tpu.memref_slice %arg17[%dma_start3A_52, %dma_start3A_53, %dma_start3A_57] : memref<6x4x128xi32, #tpu.memory_space<vmem>> -> memref<1x1x128xi32, #tpu.memory_space<vmem>>
    %dma_start3A_59 = tpu.memref_squeeze %dma_start3A_58 : memref<1x1x128xi32, #tpu.memory_space<vmem>> -> memref<128xi32, #tpu.memory_space<vmem>>
    %dma_start3A_60 = arith.constant 0 : i32
    %dma_start3A_61 = arith.constant 0 : i32
    %dma_start3A_62 = tpu.memref_slice %arg2[%dma_start3A_60, %dma_start3A_61] : memref<1000001x64xf32, #tpu.memory_space<hbm>> -> memref<1000001x64xf32, #tpu.memory_space<hbm>>
    tpu.enqueue_indirect_dma source(%dma_start3A_62 : memref<1000001x64xf32, #tpu.memory_space<hbm>>) target(%dma_start3A_56 : memref<128x64xf32, #tpu.memory_space<vmem>>) offsets(%dma_start3A_59 : memref<128xi32, #tpu.memory_space<vmem>>) semaphore(%arg22 : memref<!tpu.dma_semaphore, #tpu.memory_space<semaphore_mem>>)
    %dma_wait3A = arith.constant 0 : i32
    %dma_wait3A_63 = arith.constant 0 : i32
    %dma_wait3A_64 = arith.constant 0 : i32
    %dma_wait3A_65 = arith.constant 0 : i32
    %dma_wait3A_66 = tpu.memref_slice %arg18[%dma_wait3A_64, %dma_wait3A_65] : memref<512x64xf32, #tpu.memory_space<vmem>> -> memref<128x64xf32, #tpu.memory_space<vmem>>
    %dma_wait3A_67 = arith.constant 0 : i32
    %dma_wait3A_68 = tpu.memref_slice %arg17[%dma_wait3A, %dma_wait3A_63, %dma_wait3A_67] : memref<6x4x128xi32, #tpu.memory_space<vmem>> -> memref<1x1x128xi32, #tpu.memory_space<vmem>>
    %dma_wait3A_69 = tpu.memref_squeeze %dma_wait3A_68 : memref<1x1x128xi32, #tpu.memory_space<vmem>> -> memref<128xi32, #tpu.memory_space<vmem>>
    %dma_wait3A_70 = arith.constant 0 : i32
    %dma_wait3A_71 = arith.constant 0 : i32
    %dma_wait3A_72 = tpu.memref_slice %arg2[%dma_wait3A_70, %dma_wait3A_71] : memref<1000001x64xf32, #tpu.memory_space<hbm>> -> memref<1000001x64xf32, #tpu.memory_space<hbm>>
    tpu.wait_indirect_dma semaphore(%arg22 : memref<!tpu.dma_semaphore, #tpu.memory_space<semaphore_mem>>) src(%dma_wait3A_72 : memref<1000001x64xf32, #tpu.memory_space<hbm>>) dst(%dma_wait3A_66 : memref<128x64xf32, #tpu.memory_space<vmem>>)
    %dma_wait3A_73 = arith.constant 0 : i32
    %dma_wait3A_74 = arith.constant 1 : i32
    %dma_wait3A_75 = arith.constant 128 : i32
    %dma_wait3A_76 = arith.constant 0 : i32
    %dma_wait3A_77 = tpu.memref_slice %arg18[%dma_wait3A_75, %dma_wait3A_76] : memref<512x64xf32, #tpu.memory_space<vmem>> -> memref<128x64xf32, #tpu.memory_space<vmem>>
    %dma_wait3A_78 = arith.constant 0 : i32
    %dma_wait3A_79 = tpu.memref_slice %arg17[%dma_wait3A_73, %dma_wait3A_74, %dma_wait3A_78] : memref<6x4x128xi32, #tpu.memory_space<vmem>> -> memref<1x1x128xi32, #tpu.memory_space<vmem>>
    %dma_wait3A_80 = tpu.memref_squeeze %dma_wait3A_79 : memref<1x1x128xi32, #tpu.memory_space<vmem>> -> memref<128xi32, #tpu.memory_space<vmem>>
    %dma_wait3A_81 = arith.constant 0 : i32
    %dma_wait3A_82 = arith.constant 0 : i32
    %dma_wait3A_83 = tpu.memref_slice %arg2[%dma_wait3A_81, %dma_wait3A_82] : memref<1000001x64xf32, #tpu.memory_space<hbm>> -> memref<1000001x64xf32, #tpu.memory_space<hbm>>
    tpu.wait_indirect_dma semaphore(%arg22 : memref<!tpu.dma_semaphore, #tpu.memory_space<semaphore_mem>>) src(%dma_wait3A_83 : memref<1000001x64xf32, #tpu.memory_space<hbm>>) dst(%dma_wait3A_77 : memref<128x64xf32, #tpu.memory_space<vmem>>)
    %dma_wait3A_84 = arith.constant 0 : i32
    %dma_wait3A_85 = arith.constant 2 : i32
    %dma_wait3A_86 = arith.constant 256 : i32
    %dma_wait3A_87 = arith.constant 0 : i32
    %dma_wait3A_88 = tpu.memref_slice %arg18[%dma_wait3A_86, %dma_wait3A_87] : memref<512x64xf32, #tpu.memory_space<vmem>> -> memref<128x64xf32, #tpu.memory_space<vmem>>
    %dma_wait3A_89 = arith.constant 0 : i32
    %dma_wait3A_90 = tpu.memref_slice %arg17[%dma_wait3A_84, %dma_wait3A_85, %dma_wait3A_89] : memref<6x4x128xi32, #tpu.memory_space<vmem>> -> memref<1x1x128xi32, #tpu.memory_space<vmem>>
    %dma_wait3A_91 = tpu.memref_squeeze %dma_wait3A_90 : memref<1x1x128xi32, #tpu.memory_space<vmem>> -> memref<128xi32, #tpu.memory_space<vmem>>
    %dma_wait3A_92 = arith.constant 0 : i32
    %dma_wait3A_93 = arith.constant 0 : i32
    %dma_wait3A_94 = tpu.memref_slice %arg2[%dma_wait3A_92, %dma_wait3A_93] : memref<1000001x64xf32, #tpu.memory_space<hbm>> -> memref<1000001x64xf32, #tpu.memory_space<hbm>>
    tpu.wait_indirect_dma semaphore(%arg22 : memref<!tpu.dma_semaphore, #tpu.memory_space<semaphore_mem>>) src(%dma_wait3A_94 : memref<1000001x64xf32, #tpu.memory_space<hbm>>) dst(%dma_wait3A_88 : memref<128x64xf32, #tpu.memory_space<vmem>>)
    %dma_wait3A_95 = arith.constant 0 : i32
    %dma_wait3A_96 = arith.constant 3 : i32
    %dma_wait3A_97 = arith.constant 384 : i32
    %dma_wait3A_98 = arith.constant 0 : i32
    %dma_wait3A_99 = tpu.memref_slice %arg18[%dma_wait3A_97, %dma_wait3A_98] : memref<512x64xf32, #tpu.memory_space<vmem>> -> memref<128x64xf32, #tpu.memory_space<vmem>>
    %dma_wait3A_100 = arith.constant 0 : i32
    %dma_wait3A_101 = tpu.memref_slice %arg17[%dma_wait3A_95, %dma_wait3A_96, %dma_wait3A_100] : memref<6x4x128xi32, #tpu.memory_space<vmem>> -> memref<1x1x128xi32, #tpu.memory_space<vmem>>
    %dma_wait3A_102 = tpu.memref_squeeze %dma_wait3A_101 : memref<1x1x128xi32, #tpu.memory_space<vmem>> -> memref<128xi32, #tpu.memory_space<vmem>>
    %dma_wait3A_103 = arith.constant 0 : i32
    %dma_wait3A_104 = arith.constant 0 : i32
    %dma_wait3A_105 = tpu.memref_slice %arg2[%dma_wait3A_103, %dma_wait3A_104] : memref<1000001x64xf32, #tpu.memory_space<hbm>> -> memref<1000001x64xf32, #tpu.memory_space<hbm>>
    tpu.wait_indirect_dma semaphore(%arg22 : memref<!tpu.dma_semaphore, #tpu.memory_space<semaphore_mem>>) src(%dma_wait3A_105 : memref<1000001x64xf32, #tpu.memory_space<hbm>>) dst(%dma_wait3A_99 : memref<128x64xf32, #tpu.memory_space<vmem>>)
    %dma_start3A_106 = arith.constant 1 : i32
    %dma_start3A_107 = arith.constant 0 : i32
    %dma_start3A_108 = arith.constant 0 : i32
    %dma_start3A_109 = arith.constant 0 : i32
    %dma_start3A_110 = tpu.memref_slice %arg19[%dma_start3A_108, %dma_start3A_109] : memref<512x64xf32, #tpu.memory_space<vmem>> -> memref<128x64xf32, #tpu.memory_space<vmem>>
    %dma_start3A_111 = arith.constant 0 : i32
    %dma_start3A_112 = tpu.memref_slice %arg17[%dma_start3A_106, %dma_start3A_107, %dma_start3A_111] : memref<6x4x128xi32, #tpu.memory_space<vmem>> -> memref<1x1x128xi32, #tpu.memory_space<vmem>>
    %dma_start3A_113 = tpu.memref_squeeze %dma_start3A_112 : memref<1x1x128xi32, #tpu.memory_space<vmem>> -> memref<128xi32, #tpu.memory_space<vmem>>
    %dma_start3A_114 = arith.constant 0 : i32
    %dma_start3A_115 = arith.constant 0 : i32
    %dma_start3A_116 = tpu.memref_slice %arg2[%dma_start3A_114, %dma_start3A_115] : memref<1000001x64xf32, #tpu.memory_space<hbm>> -> memref<1000001x64xf32, #tpu.memory_space<hbm>>
    tpu.enqueue_indirect_dma source(%dma_start3A_116 : memref<1000001x64xf32, #tpu.memory_space<hbm>>) target(%dma_start3A_110 : memref<128x64xf32, #tpu.memory_space<vmem>>) offsets(%dma_start3A_113 : memref<128xi32, #tpu.memory_space<vmem>>) semaphore(%arg22 : memref<!tpu.dma_semaphore, #tpu.memory_space<semaphore_mem>>)
    %dma_start3A_117 = arith.constant 1 : i32
    %dma_start3A_118 = arith.constant 1 : i32
    %dma_start3A_119 = arith.constant 128 : i32
    %dma_start3A_120 = arith.constant 0 : i32
    %dma_start3A_121 = tpu.memref_slice %arg19[%dma_start3A_119, %dma_start3A_120] : memref<512x64xf32, #tpu.memory_space<vmem>> -> memref<128x64xf32, #tpu.memory_space<vmem>>
    %dma_start3A_122 = arith.constant 0 : i32
    %dma_start3A_123 = tpu.memref_slice %arg17[%dma_start3A_117, %dma_start3A_118, %dma_start3A_122] : memref<6x4x128xi32, #tpu.memory_space<vmem>> -> memref<1x1x128xi32, #tpu.memory_space<vmem>>
    %dma_start3A_124 = tpu.memref_squeeze %dma_start3A_123 : memref<1x1x128xi32, #tpu.memory_space<vmem>> -> memref<128xi32, #tpu.memory_space<vmem>>
    %dma_start3A_125 = arith.constant 0 : i32
    %dma_start3A_126 = arith.constant 0 : i32
    %dma_start3A_127 = tpu.memref_slice %arg2[%dma_start3A_125, %dma_start3A_126] : memref<1000001x64xf32, #tpu.memory_space<hbm>> -> memref<1000001x64xf32, #tpu.memory_space<hbm>>
    tpu.enqueue_indirect_dma source(%dma_start3A_127 : memref<1000001x64xf32, #tpu.memory_space<hbm>>) target(%dma_start3A_121 : memref<128x64xf32, #tpu.memory_space<vmem>>) offsets(%dma_start3A_124 : memref<128xi32, #tpu.memory_space<vmem>>) semaphore(%arg22 : memref<!tpu.dma_semaphore, #tpu.memory_space<semaphore_mem>>)
    %dma_start3A_128 = arith.constant 1 : i32
    %dma_start3A_129 = arith.constant 2 : i32
    %dma_start3A_130 = arith.constant 256 : i32
    %dma_start3A_131 = arith.constant 0 : i32
    %dma_start3A_132 = tpu.memref_slice %arg19[%dma_start3A_130, %dma_start3A_131] : memref<512x64xf32, #tpu.memory_space<vmem>> -> memref<128x64xf32, #tpu.memory_space<vmem>>
    %dma_start3A_133 = arith.constant 0 : i32
    %dma_start3A_134 = tpu.memref_slice %arg17[%dma_start3A_128, %dma_start3A_129, %dma_start3A_133] : memref<6x4x128xi32, #tpu.memory_space<vmem>> -> memref<1x1x128xi32, #tpu.memory_space<vmem>>
    %dma_start3A_135 = tpu.memref_squeeze %dma_start3A_134 : memref<1x1x128xi32, #tpu.memory_space<vmem>> -> memref<128xi32, #tpu.memory_space<vmem>>
    %dma_start3A_136 = arith.constant 0 : i32
    %dma_start3A_137 = arith.constant 0 : i32
    %dma_start3A_138 = tpu.memref_slice %arg2[%dma_start3A_136, %dma_start3A_137] : memref<1000001x64xf32, #tpu.memory_space<hbm>> -> memref<1000001x64xf32, #tpu.memory_space<hbm>>
    tpu.enqueue_indirect_dma source(%dma_start3A_138 : memref<1000001x64xf32, #tpu.memory_space<hbm>>) target(%dma_start3A_132 : memref<128x64xf32, #tpu.memory_space<vmem>>) offsets(%dma_start3A_135 : memref<128xi32, #tpu.memory_space<vmem>>) semaphore(%arg22 : memref<!tpu.dma_semaphore, #tpu.memory_space<semaphore_mem>>)
    %dma_start3A_139 = arith.constant 1 : i32
    %dma_start3A_140 = arith.constant 3 : i32
    %dma_start3A_141 = arith.constant 384 : i32
    %dma_start3A_142 = arith.constant 0 : i32
    %dma_start3A_143 = tpu.memref_slice %arg19[%dma_start3A_141, %dma_start3A_142] : memref<512x64xf32, #tpu.memory_space<vmem>> -> memref<128x64xf32, #tpu.memory_space<vmem>>
    %dma_start3A_144 = arith.constant 0 : i32
    %dma_start3A_145 = tpu.memref_slice %arg17[%dma_start3A_139, %dma_start3A_140, %dma_start3A_144] : memref<6x4x128xi32, #tpu.memory_space<vmem>> -> memref<1x1x128xi32, #tpu.memory_space<vmem>>
    %dma_start3A_146 = tpu.memref_squeeze %dma_start3A_145 : memref<1x1x128xi32, #tpu.memory_space<vmem>> -> memref<128xi32, #tpu.memory_space<vmem>>
    %dma_start3A_147 = arith.constant 0 : i32
    %dma_start3A_148 = arith.constant 0 : i32
    %dma_start3A_149 = tpu.memref_slice %arg2[%dma_start3A_147, %dma_start3A_148] : memref<1000001x64xf32, #tpu.memory_space<hbm>> -> memref<1000001x64xf32, #tpu.memory_space<hbm>>
    tpu.enqueue_indirect_dma source(%dma_start3A_149 : memref<1000001x64xf32, #tpu.memory_space<hbm>>) target(%dma_start3A_143 : memref<128x64xf32, #tpu.memory_space<vmem>>) offsets(%dma_start3A_146 : memref<128xi32, #tpu.memory_space<vmem>>) semaphore(%arg22 : memref<!tpu.dma_semaphore, #tpu.memory_space<semaphore_mem>>)
    %dma_start3A_150 = arith.constant 0 : i32
    %dma_start3A_151 = tpu.memref_slice %arg11[%mul3A_2, %dma_start3A_150] : memref<16384x64xf32, #tpu.memory_space<hbm>> -> memref<512x64xf32, #tpu.memory_space<hbm>>
    %dma_start3A_152 = arith.constant 0 : i32
    %dma_start3A_153 = tpu.memref_slice %arg11[%mul3A_2, %dma_start3A_152] : memref<16384x64xf32, #tpu.memory_space<hbm>> -> memref<512x64xf32, #tpu.memory_space<hbm>>
    tpu.enqueue_dma source(%arg18 : memref<512x64xf32, #tpu.memory_space<vmem>>) target(%dma_start3A_153 : memref<512x64xf32, #tpu.memory_space<hbm>>) target_semaphore(%arg23 : memref<!tpu.dma_semaphore, #tpu.memory_space<semaphore_mem>>)
    %dma_wait3A_154 = arith.constant 1 : i32
    %dma_wait3A_155 = arith.constant 0 : i32
    %dma_wait3A_156 = arith.constant 0 : i32
    %dma_wait3A_157 = arith.constant 0 : i32
    %dma_wait3A_158 = tpu.memref_slice %arg19[%dma_wait3A_156, %dma_wait3A_157] : memref<512x64xf32, #tpu.memory_space<vmem>> -> memref<128x64xf32, #tpu.memory_space<vmem>>
    %dma_wait3A_159 = arith.constant 0 : i32
    %dma_wait3A_160 = tpu.memref_slice %arg17[%dma_wait3A_154, %dma_wait3A_155, %dma_wait3A_159] : memref<6x4x128xi32, #tpu.memory_space<vmem>> -> memref<1x1x128xi32, #tpu.memory_space<vmem>>
    %dma_wait3A_161 = tpu.memref_squeeze %dma_wait3A_160 : memref<1x1x128xi32, #tpu.memory_space<vmem>> -> memref<128xi32, #tpu.memory_space<vmem>>
    %dma_wait3A_162 = arith.constant 0 : i32
    %dma_wait3A_163 = arith.constant 0 : i32
    %dma_wait3A_164 = tpu.memref_slice %arg2[%dma_wait3A_162, %dma_wait3A_163] : memref<1000001x64xf32, #tpu.memory_space<hbm>> -> memref<1000001x64xf32, #tpu.memory_space<hbm>>
    tpu.wait_indirect_dma semaphore(%arg22 : memref<!tpu.dma_semaphore, #tpu.memory_space<semaphore_mem>>) src(%dma_wait3A_164 : memref<1000001x64xf32, #tpu.memory_space<hbm>>) dst(%dma_wait3A_158 : memref<128x64xf32, #tpu.memory_space<vmem>>)
    %dma_wait3A_165 = arith.constant 1 : i32
    %dma_wait3A_166 = arith.constant 1 : i32
    %dma_wait3A_167 = arith.constant 128 : i32
    %dma_wait3A_168 = arith.constant 0 : i32
    %dma_wait3A_169 = tpu.memref_slice %arg19[%dma_wait3A_167, %dma_wait3A_168] : memref<512x64xf32, #tpu.memory_space<vmem>> -> memref<128x64xf32, #tpu.memory_space<vmem>>
    %dma_wait3A_170 = arith.constant 0 : i32
    %dma_wait3A_171 = tpu.memref_slice %arg17[%dma_wait3A_165, %dma_wait3A_166, %dma_wait3A_170] : memref<6x4x128xi32, #tpu.memory_space<vmem>> -> memref<1x1x128xi32, #tpu.memory_space<vmem>>
    %dma_wait3A_172 = tpu.memref_squeeze %dma_wait3A_171 : memref<1x1x128xi32, #tpu.memory_space<vmem>> -> memref<128xi32, #tpu.memory_space<vmem>>
    %dma_wait3A_173 = arith.constant 0 : i32
    %dma_wait3A_174 = arith.constant 0 : i32
    %dma_wait3A_175 = tpu.memref_slice %arg2[%dma_wait3A_173, %dma_wait3A_174] : memref<1000001x64xf32, #tpu.memory_space<hbm>> -> memref<1000001x64xf32, #tpu.memory_space<hbm>>
    tpu.wait_indirect_dma semaphore(%arg22 : memref<!tpu.dma_semaphore, #tpu.memory_space<semaphore_mem>>) src(%dma_wait3A_175 : memref<1000001x64xf32, #tpu.memory_space<hbm>>) dst(%dma_wait3A_169 : memref<128x64xf32, #tpu.memory_space<vmem>>)
    %dma_wait3A_176 = arith.constant 1 : i32
    %dma_wait3A_177 = arith.constant 2 : i32
    %dma_wait3A_178 = arith.constant 256 : i32
    %dma_wait3A_179 = arith.constant 0 : i32
    %dma_wait3A_180 = tpu.memref_slice %arg19[%dma_wait3A_178, %dma_wait3A_179] : memref<512x64xf32, #tpu.memory_space<vmem>> -> memref<128x64xf32, #tpu.memory_space<vmem>>
    %dma_wait3A_181 = arith.constant 0 : i32
    %dma_wait3A_182 = tpu.memref_slice %arg17[%dma_wait3A_176, %dma_wait3A_177, %dma_wait3A_181] : memref<6x4x128xi32, #tpu.memory_space<vmem>> -> memref<1x1x128xi32, #tpu.memory_space<vmem>>
    %dma_wait3A_183 = tpu.memref_squeeze %dma_wait3A_182 : memref<1x1x128xi32, #tpu.memory_space<vmem>> -> memref<128xi32, #tpu.memory_space<vmem>>
    %dma_wait3A_184 = arith.constant 0 : i32
    %dma_wait3A_185 = arith.constant 0 : i32
    %dma_wait3A_186 = tpu.memref_slice %arg2[%dma_wait3A_184, %dma_wait3A_185] : memref<1000001x64xf32, #tpu.memory_space<hbm>> -> memref<1000001x64xf32, #tpu.memory_space<hbm>>
    tpu.wait_indirect_dma semaphore(%arg22 : memref<!tpu.dma_semaphore, #tpu.memory_space<semaphore_mem>>) src(%dma_wait3A_186 : memref<1000001x64xf32, #tpu.memory_space<hbm>>) dst(%dma_wait3A_180 : memref<128x64xf32, #tpu.memory_space<vmem>>)
    %dma_wait3A_187 = arith.constant 1 : i32
    %dma_wait3A_188 = arith.constant 3 : i32
    %dma_wait3A_189 = arith.constant 384 : i32
    %dma_wait3A_190 = arith.constant 0 : i32
    %dma_wait3A_191 = tpu.memref_slice %arg19[%dma_wait3A_189, %dma_wait3A_190] : memref<512x64xf32, #tpu.memory_space<vmem>> -> memref<128x64xf32, #tpu.memory_space<vmem>>
    %dma_wait3A_192 = arith.constant 0 : i32
    %dma_wait3A_193 = tpu.memref_slice %arg17[%dma_wait3A_187, %dma_wait3A_188, %dma_wait3A_192] : memref<6x4x128xi32, #tpu.memory_space<vmem>> -> memref<1x1x128xi32, #tpu.memory_space<vmem>>
    %dma_wait3A_194 = tpu.memref_squeeze %dma_wait3A_193 : memref<1x1x128xi32, #tpu.memory_space<vmem>> -> memref<128xi32, #tpu.memory_space<vmem>>
    %dma_wait3A_195 = arith.constant 0 : i32
    %dma_wait3A_196 = arith.constant 0 : i32
    %dma_wait3A_197 = tpu.memref_slice %arg2[%dma_wait3A_195, %dma_wait3A_196] : memref<1000001x64xf32, #tpu.memory_space<hbm>> -> memref<1000001x64xf32, #tpu.memory_space<hbm>>
    tpu.wait_indirect_dma semaphore(%arg22 : memref<!tpu.dma_semaphore, #tpu.memory_space<semaphore_mem>>) src(%dma_wait3A_197 : memref<1000001x64xf32, #tpu.memory_space<hbm>>) dst(%dma_wait3A_191 : memref<128x64xf32, #tpu.memory_space<vmem>>)
    %dma_wait3A_198 = arith.constant 0 : i32
    %dma_wait3A_199 = tpu.memref_slice %arg11[%mul3A_2, %dma_wait3A_198] : memref<16384x64xf32, #tpu.memory_space<hbm>> -> memref<512x64xf32, #tpu.memory_space<hbm>>
    %dma_wait3A_200 = arith.constant 0 : i32
    %dma_wait3A_201 = tpu.memref_slice %arg11[%mul3A_2, %dma_wait3A_200] : memref<16384x64xf32, #tpu.memory_space<hbm>> -> memref<512x64xf32, #tpu.memory_space<hbm>>
    tpu.wait_dma2 semaphore(%arg23 : memref<!tpu.dma_semaphore, #tpu.memory_space<semaphore_mem>>) src(%arg18 : memref<512x64xf32, #tpu.memory_space<vmem>>) dst(%dma_wait3A_201 : memref<512x64xf32, #tpu.memory_space<hbm>>)
    %dma_start3A_202 = arith.constant 2 : i32
    %dma_start3A_203 = arith.constant 0 : i32
    %dma_start3A_204 = arith.constant 0 : i32
    %dma_start3A_205 = arith.constant 0 : i32
    %dma_start3A_206 = tpu.memref_slice %arg18[%dma_start3A_204, %dma_start3A_205] : memref<512x64xf32, #tpu.memory_space<vmem>> -> memref<128x64xf32, #tpu.memory_space<vmem>>
    %dma_start3A_207 = arith.constant 0 : i32
    %dma_start3A_208 = tpu.memref_slice %arg17[%dma_start3A_202, %dma_start3A_203, %dma_start3A_207] : memref<6x4x128xi32, #tpu.memory_space<vmem>> -> memref<1x1x128xi32, #tpu.memory_space<vmem>>
    %dma_start3A_209 = tpu.memref_squeeze %dma_start3A_208 : memref<1x1x128xi32, #tpu.memory_space<vmem>> -> memref<128xi32, #tpu.memory_space<vmem>>
    %dma_start3A_210 = arith.constant 0 : i32
    %dma_start3A_211 = arith.constant 0 : i32
    %dma_start3A_212 = tpu.memref_slice %arg2[%dma_start3A_210, %dma_start3A_211] : memref<1000001x64xf32, #tpu.memory_space<hbm>> -> memref<1000001x64xf32, #tpu.memory_space<hbm>>
    tpu.enqueue_indirect_dma source(%dma_start3A_212 : memref<1000001x64xf32, #tpu.memory_space<hbm>>) target(%dma_start3A_206 : memref<128x64xf32, #tpu.memory_space<vmem>>) offsets(%dma_start3A_209 : memref<128xi32, #tpu.memory_space<vmem>>) semaphore(%arg22 : memref<!tpu.dma_semaphore, #tpu.memory_space<semaphore_mem>>)
    %dma_start3A_213 = arith.constant 2 : i32
    %dma_start3A_214 = arith.constant 1 : i32
    %dma_start3A_215 = arith.constant 128 : i32
    %dma_start3A_216 = arith.constant 0 : i32
    %dma_start3A_217 = tpu.memref_slice %arg18[%dma_start3A_215, %dma_start3A_216] : memref<512x64xf32, #tpu.memory_space<vmem>> -> memref<128x64xf32, #tpu.memory_space<vmem>>
    %dma_start3A_218 = arith.constant 0 : i32
    %dma_start3A_219 = tpu.memref_slice %arg17[%dma_start3A_213, %dma_start3A_214, %dma_start3A_218] : memref<6x4x128xi32, #tpu.memory_space<vmem>> -> memref<1x1x128xi32, #tpu.memory_space<vmem>>
    %dma_start3A_220 = tpu.memref_squeeze %dma_start3A_219 : memref<1x1x128xi32, #tpu.memory_space<vmem>> -> memref<128xi32, #tpu.memory_space<vmem>>
    %dma_start3A_221 = arith.constant 0 : i32
    %dma_start3A_222 = arith.constant 0 : i32
    %dma_start3A_223 = tpu.memref_slice %arg2[%dma_start3A_221, %dma_start3A_222] : memref<1000001x64xf32, #tpu.memory_space<hbm>> -> memref<1000001x64xf32, #tpu.memory_space<hbm>>
    tpu.enqueue_indirect_dma source(%dma_start3A_223 : memref<1000001x64xf32, #tpu.memory_space<hbm>>) target(%dma_start3A_217 : memref<128x64xf32, #tpu.memory_space<vmem>>) offsets(%dma_start3A_220 : memref<128xi32, #tpu.memory_space<vmem>>) semaphore(%arg22 : memref<!tpu.dma_semaphore, #tpu.memory_space<semaphore_mem>>)
    %dma_start3A_224 = arith.constant 2 : i32
    %dma_start3A_225 = arith.constant 2 : i32
    %dma_start3A_226 = arith.constant 256 : i32
    %dma_start3A_227 = arith.constant 0 : i32
    %dma_start3A_228 = tpu.memref_slice %arg18[%dma_start3A_226, %dma_start3A_227] : memref<512x64xf32, #tpu.memory_space<vmem>> -> memref<128x64xf32, #tpu.memory_space<vmem>>
    %dma_start3A_229 = arith.constant 0 : i32
    %dma_start3A_230 = tpu.memref_slice %arg17[%dma_start3A_224, %dma_start3A_225, %dma_start3A_229] : memref<6x4x128xi32, #tpu.memory_space<vmem>> -> memref<1x1x128xi32, #tpu.memory_space<vmem>>
    %dma_start3A_231 = tpu.memref_squeeze %dma_start3A_230 : memref<1x1x128xi32, #tpu.memory_space<vmem>> -> memref<128xi32, #tpu.memory_space<vmem>>
    %dma_start3A_232 = arith.constant 0 : i32
    %dma_start3A_233 = arith.constant 0 : i32
    %dma_start3A_234 = tpu.memref_slice %arg2[%dma_start3A_232, %dma_start3A_233] : memref<1000001x64xf32, #tpu.memory_space<hbm>> -> memref<1000001x64xf32, #tpu.memory_space<hbm>>
    tpu.enqueue_indirect_dma source(%dma_start3A_234 : memref<1000001x64xf32, #tpu.memory_space<hbm>>) target(%dma_start3A_228 : memref<128x64xf32, #tpu.memory_space<vmem>>) offsets(%dma_start3A_231 : memref<128xi32, #tpu.memory_space<vmem>>) semaphore(%arg22 : memref<!tpu.dma_semaphore, #tpu.memory_space<semaphore_mem>>)
    %dma_start3A_235 = arith.constant 2 : i32
    %dma_start3A_236 = arith.constant 3 : i32
    %dma_start3A_237 = arith.constant 384 : i32
    %dma_start3A_238 = arith.constant 0 : i32
    %dma_start3A_239 = tpu.memref_slice %arg18[%dma_start3A_237, %dma_start3A_238] : memref<512x64xf32, #tpu.memory_space<vmem>> -> memref<128x64xf32, #tpu.memory_space<vmem>>
    %dma_start3A_240 = arith.constant 0 : i32
    %dma_start3A_241 = tpu.memref_slice %arg17[%dma_start3A_235, %dma_start3A_236, %dma_start3A_240] : memref<6x4x128xi32, #tpu.memory_space<vmem>> -> memref<1x1x128xi32, #tpu.memory_space<vmem>>
    %dma_start3A_242 = tpu.memref_squeeze %dma_start3A_241 : memref<1x1x128xi32, #tpu.memory_space<vmem>> -> memref<128xi32, #tpu.memory_space<vmem>>
    %dma_start3A_243 = arith.constant 0 : i32
    %dma_start3A_244 = arith.constant 0 : i32
    %dma_start3A_245 = tpu.memref_slice %arg2[%dma_start3A_243, %dma_start3A_244] : memref<1000001x64xf32, #tpu.memory_space<hbm>> -> memref<1000001x64xf32, #tpu.memory_space<hbm>>
    tpu.enqueue_indirect_dma source(%dma_start3A_245 : memref<1000001x64xf32, #tpu.memory_space<hbm>>) target(%dma_start3A_239 : memref<128x64xf32, #tpu.memory_space<vmem>>) offsets(%dma_start3A_242 : memref<128xi32, #tpu.memory_space<vmem>>) semaphore(%arg22 : memref<!tpu.dma_semaphore, #tpu.memory_space<semaphore_mem>>)
    %dma_start3A_246 = arith.constant 0 : i32
    %dma_start3A_247 = tpu.memref_slice %arg12[%mul3A_2, %dma_start3A_246] : memref<16384x64xf32, #tpu.memory_space<hbm>> -> memref<512x64xf32, #tpu.memory_space<hbm>>
    %dma_start3A_248 = arith.constant 0 : i32
    %dma_start3A_249 = tpu.memref_slice %arg12[%mul3A_2, %dma_start3A_248] : memref<16384x64xf32, #tpu.memory_space<hbm>> -> memref<512x64xf32, #tpu.memory_space<hbm>>
    tpu.enqueue_dma source(%arg19 : memref<512x64xf32, #tpu.memory_space<vmem>>) target(%dma_start3A_249 : memref<512x64xf32, #tpu.memory_space<hbm>>) target_semaphore(%arg23 : memref<!tpu.dma_semaphore, #tpu.memory_space<semaphore_mem>>)
    %dma_wait3A_250 = arith.constant 2 : i32
    %dma_wait3A_251 = arith.constant 0 : i32
    %dma_wait3A_252 = arith.constant 0 : i32
    %dma_wait3A_253 = arith.constant 0 : i32
    %dma_wait3A_254 = tpu.memref_slice %arg18[%dma_wait3A_252, %dma_wait3A_253] : memref<512x64xf32, #tpu.memory_space<vmem>> -> memref<128x64xf32, #tpu.memory_space<vmem>>
    %dma_wait3A_255 = arith.constant 0 : i32
    %dma_wait3A_256 = tpu.memref_slice %arg17[%dma_wait3A_250, %dma_wait3A_251, %dma_wait3A_255] : memref<6x4x128xi32, #tpu.memory_space<vmem>> -> memref<1x1x128xi32, #tpu.memory_space<vmem>>
    %dma_wait3A_257 = tpu.memref_squeeze %dma_wait3A_256 : memref<1x1x128xi32, #tpu.memory_space<vmem>> -> memref<128xi32, #tpu.memory_space<vmem>>
    %dma_wait3A_258 = arith.constant 0 : i32
    %dma_wait3A_259 = arith.constant 0 : i32
    %dma_wait3A_260 = tpu.memref_slice %arg2[%dma_wait3A_258, %dma_wait3A_259] : memref<1000001x64xf32, #tpu.memory_space<hbm>> -> memref<1000001x64xf32, #tpu.memory_space<hbm>>
    tpu.wait_indirect_dma semaphore(%arg22 : memref<!tpu.dma_semaphore, #tpu.memory_space<semaphore_mem>>) src(%dma_wait3A_260 : memref<1000001x64xf32, #tpu.memory_space<hbm>>) dst(%dma_wait3A_254 : memref<128x64xf32, #tpu.memory_space<vmem>>)
    %dma_wait3A_261 = arith.constant 2 : i32
    %dma_wait3A_262 = arith.constant 1 : i32
    %dma_wait3A_263 = arith.constant 128 : i32
    %dma_wait3A_264 = arith.constant 0 : i32
    %dma_wait3A_265 = tpu.memref_slice %arg18[%dma_wait3A_263, %dma_wait3A_264] : memref<512x64xf32, #tpu.memory_space<vmem>> -> memref<128x64xf32, #tpu.memory_space<vmem>>
    %dma_wait3A_266 = arith.constant 0 : i32
    %dma_wait3A_267 = tpu.memref_slice %arg17[%dma_wait3A_261, %dma_wait3A_262, %dma_wait3A_266] : memref<6x4x128xi32, #tpu.memory_space<vmem>> -> memref<1x1x128xi32, #tpu.memory_space<vmem>>
    %dma_wait3A_268 = tpu.memref_squeeze %dma_wait3A_267 : memref<1x1x128xi32, #tpu.memory_space<vmem>> -> memref<128xi32, #tpu.memory_space<vmem>>
    %dma_wait3A_269 = arith.constant 0 : i32
    %dma_wait3A_270 = arith.constant 0 : i32
    %dma_wait3A_271 = tpu.memref_slice %arg2[%dma_wait3A_269, %dma_wait3A_270] : memref<1000001x64xf32, #tpu.memory_space<hbm>> -> memref<1000001x64xf32, #tpu.memory_space<hbm>>
    tpu.wait_indirect_dma semaphore(%arg22 : memref<!tpu.dma_semaphore, #tpu.memory_space<semaphore_mem>>) src(%dma_wait3A_271 : memref<1000001x64xf32, #tpu.memory_space<hbm>>) dst(%dma_wait3A_265 : memref<128x64xf32, #tpu.memory_space<vmem>>)
    %dma_wait3A_272 = arith.constant 2 : i32
    %dma_wait3A_273 = arith.constant 2 : i32
    %dma_wait3A_274 = arith.constant 256 : i32
    %dma_wait3A_275 = arith.constant 0 : i32
    %dma_wait3A_276 = tpu.memref_slice %arg18[%dma_wait3A_274, %dma_wait3A_275] : memref<512x64xf32, #tpu.memory_space<vmem>> -> memref<128x64xf32, #tpu.memory_space<vmem>>
    %dma_wait3A_277 = arith.constant 0 : i32
    %dma_wait3A_278 = tpu.memref_slice %arg17[%dma_wait3A_272, %dma_wait3A_273, %dma_wait3A_277] : memref<6x4x128xi32, #tpu.memory_space<vmem>> -> memref<1x1x128xi32, #tpu.memory_space<vmem>>
    %dma_wait3A_279 = tpu.memref_squeeze %dma_wait3A_278 : memref<1x1x128xi32, #tpu.memory_space<vmem>> -> memref<128xi32, #tpu.memory_space<vmem>>
    %dma_wait3A_280 = arith.constant 0 : i32
    %dma_wait3A_281 = arith.constant 0 : i32
    %dma_wait3A_282 = tpu.memref_slice %arg2[%dma_wait3A_280, %dma_wait3A_281] : memref<1000001x64xf32, #tpu.memory_space<hbm>> -> memref<1000001x64xf32, #tpu.memory_space<hbm>>
    tpu.wait_indirect_dma semaphore(%arg22 : memref<!tpu.dma_semaphore, #tpu.memory_space<semaphore_mem>>) src(%dma_wait3A_282 : memref<1000001x64xf32, #tpu.memory_space<hbm>>) dst(%dma_wait3A_276 : memref<128x64xf32, #tpu.memory_space<vmem>>)
    %dma_wait3A_283 = arith.constant 2 : i32
    %dma_wait3A_284 = arith.constant 3 : i32
    %dma_wait3A_285 = arith.constant 384 : i32
    %dma_wait3A_286 = arith.constant 0 : i32
    %dma_wait3A_287 = tpu.memref_slice %arg18[%dma_wait3A_285, %dma_wait3A_286] : memref<512x64xf32, #tpu.memory_space<vmem>> -> memref<128x64xf32, #tpu.memory_space<vmem>>
    %dma_wait3A_288 = arith.constant 0 : i32
    %dma_wait3A_289 = tpu.memref_slice %arg17[%dma_wait3A_283, %dma_wait3A_284, %dma_wait3A_288] : memref<6x4x128xi32, #tpu.memory_space<vmem>> -> memref<1x1x128xi32, #tpu.memory_space<vmem>>
    %dma_wait3A_290 = tpu.memref_squeeze %dma_wait3A_289 : memref<1x1x128xi32, #tpu.memory_space<vmem>> -> memref<128xi32, #tpu.memory_space<vmem>>
    %dma_wait3A_291 = arith.constant 0 : i32
    %dma_wait3A_292 = arith.constant 0 : i32
    %dma_wait3A_293 = tpu.memref_slice %arg2[%dma_wait3A_291, %dma_wait3A_292] : memref<1000001x64xf32, #tpu.memory_space<hbm>> -> memref<1000001x64xf32, #tpu.memory_space<hbm>>
    tpu.wait_indirect_dma semaphore(%arg22 : memref<!tpu.dma_semaphore, #tpu.memory_space<semaphore_mem>>) src(%dma_wait3A_293 : memref<1000001x64xf32, #tpu.memory_space<hbm>>) dst(%dma_wait3A_287 : memref<128x64xf32, #tpu.memory_space<vmem>>)
    %dma_wait3A_294 = arith.constant 0 : i32
    %dma_wait3A_295 = tpu.memref_slice %arg12[%mul3A_2, %dma_wait3A_294] : memref<16384x64xf32, #tpu.memory_space<hbm>> -> memref<512x64xf32, #tpu.memory_space<hbm>>
    %dma_wait3A_296 = arith.constant 0 : i32
    %dma_wait3A_297 = tpu.memref_slice %arg12[%mul3A_2, %dma_wait3A_296] : memref<16384x64xf32, #tpu.memory_space<hbm>> -> memref<512x64xf32, #tpu.memory_space<hbm>>
    tpu.wait_dma2 semaphore(%arg23 : memref<!tpu.dma_semaphore, #tpu.memory_space<semaphore_mem>>) src(%arg19 : memref<512x64xf32, #tpu.memory_space<vmem>>) dst(%dma_wait3A_297 : memref<512x64xf32, #tpu.memory_space<hbm>>)
    %dma_start3A_298 = arith.constant 3 : i32
    %dma_start3A_299 = arith.constant 0 : i32
    %dma_start3A_300 = arith.constant 0 : i32
    %dma_start3A_301 = arith.constant 0 : i32
    %dma_start3A_302 = tpu.memref_slice %arg20[%dma_start3A_300, %dma_start3A_301] : memref<512x32xf32, #tpu.memory_space<vmem>> -> memref<128x32xf32, #tpu.memory_space<vmem>>
    %dma_start3A_303 = arith.constant 0 : i32
    %dma_start3A_304 = tpu.memref_slice %arg17[%dma_start3A_298, %dma_start3A_299, %dma_start3A_303] : memref<6x4x128xi32, #tpu.memory_space<vmem>> -> memref<1x1x128xi32, #tpu.memory_space<vmem>>
    %dma_start3A_305 = tpu.memref_squeeze %dma_start3A_304 : memref<1x1x128xi32, #tpu.memory_space<vmem>> -> memref<128xi32, #tpu.memory_space<vmem>>
    %dma_start3A_306 = arith.constant 0 : i32
    %dma_start3A_307 = arith.constant 0 : i32
    %dma_start3A_308 = tpu.memref_slice %arg3[%dma_start3A_306, %dma_start3A_307] : memref<1001x32xf32, #tpu.memory_space<hbm>> -> memref<1001x32xf32, #tpu.memory_space<hbm>>
    tpu.enqueue_indirect_dma source(%dma_start3A_308 : memref<1001x32xf32, #tpu.memory_space<hbm>>) target(%dma_start3A_302 : memref<128x32xf32, #tpu.memory_space<vmem>>) offsets(%dma_start3A_305 : memref<128xi32, #tpu.memory_space<vmem>>) semaphore(%arg22 : memref<!tpu.dma_semaphore, #tpu.memory_space<semaphore_mem>>)
    %dma_start3A_309 = arith.constant 3 : i32
    %dma_start3A_310 = arith.constant 1 : i32
    %dma_start3A_311 = arith.constant 128 : i32
    %dma_start3A_312 = arith.constant 0 : i32
    %dma_start3A_313 = tpu.memref_slice %arg20[%dma_start3A_311, %dma_start3A_312] : memref<512x32xf32, #tpu.memory_space<vmem>> -> memref<128x32xf32, #tpu.memory_space<vmem>>
    %dma_start3A_314 = arith.constant 0 : i32
    %dma_start3A_315 = tpu.memref_slice %arg17[%dma_start3A_309, %dma_start3A_310, %dma_start3A_314] : memref<6x4x128xi32, #tpu.memory_space<vmem>> -> memref<1x1x128xi32, #tpu.memory_space<vmem>>
    %dma_start3A_316 = tpu.memref_squeeze %dma_start3A_315 : memref<1x1x128xi32, #tpu.memory_space<vmem>> -> memref<128xi32, #tpu.memory_space<vmem>>
    %dma_start3A_317 = arith.constant 0 : i32
    %dma_start3A_318 = arith.constant 0 : i32
    %dma_start3A_319 = tpu.memref_slice %arg3[%dma_start3A_317, %dma_start3A_318] : memref<1001x32xf32, #tpu.memory_space<hbm>> -> memref<1001x32xf32, #tpu.memory_space<hbm>>
    tpu.enqueue_indirect_dma source(%dma_start3A_319 : memref<1001x32xf32, #tpu.memory_space<hbm>>) target(%dma_start3A_313 : memref<128x32xf32, #tpu.memory_space<vmem>>) offsets(%dma_start3A_316 : memref<128xi32, #tpu.memory_space<vmem>>) semaphore(%arg22 : memref<!tpu.dma_semaphore, #tpu.memory_space<semaphore_mem>>)
    %dma_start3A_320 = arith.constant 3 : i32
    %dma_start3A_321 = arith.constant 2 : i32
    %dma_start3A_322 = arith.constant 256 : i32
    %dma_start3A_323 = arith.constant 0 : i32
    %dma_start3A_324 = tpu.memref_slice %arg20[%dma_start3A_322, %dma_start3A_323] : memref<512x32xf32, #tpu.memory_space<vmem>> -> memref<128x32xf32, #tpu.memory_space<vmem>>
    %dma_start3A_325 = arith.constant 0 : i32
    %dma_start3A_326 = tpu.memref_slice %arg17[%dma_start3A_320, %dma_start3A_321, %dma_start3A_325] : memref<6x4x128xi32, #tpu.memory_space<vmem>> -> memref<1x1x128xi32, #tpu.memory_space<vmem>>
    %dma_start3A_327 = tpu.memref_squeeze %dma_start3A_326 : memref<1x1x128xi32, #tpu.memory_space<vmem>> -> memref<128xi32, #tpu.memory_space<vmem>>
    %dma_start3A_328 = arith.constant 0 : i32
    %dma_start3A_329 = arith.constant 0 : i32
    %dma_start3A_330 = tpu.memref_slice %arg3[%dma_start3A_328, %dma_start3A_329] : memref<1001x32xf32, #tpu.memory_space<hbm>> -> memref<1001x32xf32, #tpu.memory_space<hbm>>
    tpu.enqueue_indirect_dma source(%dma_start3A_330 : memref<1001x32xf32, #tpu.memory_space<hbm>>) target(%dma_start3A_324 : memref<128x32xf32, #tpu.memory_space<vmem>>) offsets(%dma_start3A_327 : memref<128xi32, #tpu.memory_space<vmem>>) semaphore(%arg22 : memref<!tpu.dma_semaphore, #tpu.memory_space<semaphore_mem>>)
    %dma_start3A_331 = arith.constant 3 : i32
    %dma_start3A_332 = arith.constant 3 : i32
    %dma_start3A_333 = arith.constant 384 : i32
    %dma_start3A_334 = arith.constant 0 : i32
    %dma_start3A_335 = tpu.memref_slice %arg20[%dma_start3A_333, %dma_start3A_334] : memref<512x32xf32, #tpu.memory_space<vmem>> -> memref<128x32xf32, #tpu.memory_space<vmem>>
    %dma_start3A_336 = arith.constant 0 : i32
    %dma_start3A_337 = tpu.memref_slice %arg17[%dma_start3A_331, %dma_start3A_332, %dma_start3A_336] : memref<6x4x128xi32, #tpu.memory_space<vmem>> -> memref<1x1x128xi32, #tpu.memory_space<vmem>>
    %dma_start3A_338 = tpu.memref_squeeze %dma_start3A_337 : memref<1x1x128xi32, #tpu.memory_space<vmem>> -> memref<128xi32, #tpu.memory_space<vmem>>
    %dma_start3A_339 = arith.constant 0 : i32
    %dma_start3A_340 = arith.constant 0 : i32
    %dma_start3A_341 = tpu.memref_slice %arg3[%dma_start3A_339, %dma_start3A_340] : memref<1001x32xf32, #tpu.memory_space<hbm>> -> memref<1001x32xf32, #tpu.memory_space<hbm>>
    tpu.enqueue_indirect_dma source(%dma_start3A_341 : memref<1001x32xf32, #tpu.memory_space<hbm>>) target(%dma_start3A_335 : memref<128x32xf32, #tpu.memory_space<vmem>>) offsets(%dma_start3A_338 : memref<128xi32, #tpu.memory_space<vmem>>) semaphore(%arg22 : memref<!tpu.dma_semaphore, #tpu.memory_space<semaphore_mem>>)
    %dma_start3A_342 = arith.constant 0 : i32
    %dma_start3A_343 = tpu.memref_slice %arg13[%mul3A_2, %dma_start3A_342] : memref<16384x64xf32, #tpu.memory_space<hbm>> -> memref<512x64xf32, #tpu.memory_space<hbm>>
    %dma_start3A_344 = arith.constant 0 : i32
    %dma_start3A_345 = tpu.memref_slice %arg13[%mul3A_2, %dma_start3A_344] : memref<16384x64xf32, #tpu.memory_space<hbm>> -> memref<512x64xf32, #tpu.memory_space<hbm>>
    tpu.enqueue_dma source(%arg18 : memref<512x64xf32, #tpu.memory_space<vmem>>) target(%dma_start3A_345 : memref<512x64xf32, #tpu.memory_space<hbm>>) target_semaphore(%arg23 : memref<!tpu.dma_semaphore, #tpu.memory_space<semaphore_mem>>)
    %dma_wait3A_346 = arith.constant 3 : i32
    %dma_wait3A_347 = arith.constant 0 : i32
    %dma_wait3A_348 = arith.constant 0 : i32
    %dma_wait3A_349 = arith.constant 0 : i32
    %dma_wait3A_350 = tpu.memref_slice %arg20[%dma_wait3A_348, %dma_wait3A_349] : memref<512x32xf32, #tpu.memory_space<vmem>> -> memref<128x32xf32, #tpu.memory_space<vmem>>
    %dma_wait3A_351 = arith.constant 0 : i32
    %dma_wait3A_352 = tpu.memref_slice %arg17[%dma_wait3A_346, %dma_wait3A_347, %dma_wait3A_351] : memref<6x4x128xi32, #tpu.memory_space<vmem>> -> memref<1x1x128xi32, #tpu.memory_space<vmem>>
    %dma_wait3A_353 = tpu.memref_squeeze %dma_wait3A_352 : memref<1x1x128xi32, #tpu.memory_space<vmem>> -> memref<128xi32, #tpu.memory_space<vmem>>
    %dma_wait3A_354 = arith.constant 0 : i32
    %dma_wait3A_355 = arith.constant 0 : i32
    %dma_wait3A_356 = tpu.memref_slice %arg3[%dma_wait3A_354, %dma_wait3A_355] : memref<1001x32xf32, #tpu.memory_space<hbm>> -> memref<1001x32xf32, #tpu.memory_space<hbm>>
    tpu.wait_indirect_dma semaphore(%arg22 : memref<!tpu.dma_semaphore, #tpu.memory_space<semaphore_mem>>) src(%dma_wait3A_356 : memref<1001x32xf32, #tpu.memory_space<hbm>>) dst(%dma_wait3A_350 : memref<128x32xf32, #tpu.memory_space<vmem>>)
    %dma_wait3A_357 = arith.constant 3 : i32
    %dma_wait3A_358 = arith.constant 1 : i32
    %dma_wait3A_359 = arith.constant 128 : i32
    %dma_wait3A_360 = arith.constant 0 : i32
    %dma_wait3A_361 = tpu.memref_slice %arg20[%dma_wait3A_359, %dma_wait3A_360] : memref<512x32xf32, #tpu.memory_space<vmem>> -> memref<128x32xf32, #tpu.memory_space<vmem>>
    %dma_wait3A_362 = arith.constant 0 : i32
    %dma_wait3A_363 = tpu.memref_slice %arg17[%dma_wait3A_357, %dma_wait3A_358, %dma_wait3A_362] : memref<6x4x128xi32, #tpu.memory_space<vmem>> -> memref<1x1x128xi32, #tpu.memory_space<vmem>>
    %dma_wait3A_364 = tpu.memref_squeeze %dma_wait3A_363 : memref<1x1x128xi32, #tpu.memory_space<vmem>> -> memref<128xi32, #tpu.memory_space<vmem>>
    %dma_wait3A_365 = arith.constant 0 : i32
    %dma_wait3A_366 = arith.constant 0 : i32
    %dma_wait3A_367 = tpu.memref_slice %arg3[%dma_wait3A_365, %dma_wait3A_366] : memref<1001x32xf32, #tpu.memory_space<hbm>> -> memref<1001x32xf32, #tpu.memory_space<hbm>>
    tpu.wait_indirect_dma semaphore(%arg22 : memref<!tpu.dma_semaphore, #tpu.memory_space<semaphore_mem>>) src(%dma_wait3A_367 : memref<1001x32xf32, #tpu.memory_space<hbm>>) dst(%dma_wait3A_361 : memref<128x32xf32, #tpu.memory_space<vmem>>)
    %dma_wait3A_368 = arith.constant 3 : i32
    %dma_wait3A_369 = arith.constant 2 : i32
    %dma_wait3A_370 = arith.constant 256 : i32
    %dma_wait3A_371 = arith.constant 0 : i32
    %dma_wait3A_372 = tpu.memref_slice %arg20[%dma_wait3A_370, %dma_wait3A_371] : memref<512x32xf32, #tpu.memory_space<vmem>> -> memref<128x32xf32, #tpu.memory_space<vmem>>
    %dma_wait3A_373 = arith.constant 0 : i32
    %dma_wait3A_374 = tpu.memref_slice %arg17[%dma_wait3A_368, %dma_wait3A_369, %dma_wait3A_373] : memref<6x4x128xi32, #tpu.memory_space<vmem>> -> memref<1x1x128xi32, #tpu.memory_space<vmem>>
    %dma_wait3A_375 = tpu.memref_squeeze %dma_wait3A_374 : memref<1x1x128xi32, #tpu.memory_space<vmem>> -> memref<128xi32, #tpu.memory_space<vmem>>
    %dma_wait3A_376 = arith.constant 0 : i32
    %dma_wait3A_377 = arith.constant 0 : i32
    %dma_wait3A_378 = tpu.memref_slice %arg3[%dma_wait3A_376, %dma_wait3A_377] : memref<1001x32xf32, #tpu.memory_space<hbm>> -> memref<1001x32xf32, #tpu.memory_space<hbm>>
    tpu.wait_indirect_dma semaphore(%arg22 : memref<!tpu.dma_semaphore, #tpu.memory_space<semaphore_mem>>) src(%dma_wait3A_378 : memref<1001x32xf32, #tpu.memory_space<hbm>>) dst(%dma_wait3A_372 : memref<128x32xf32, #tpu.memory_space<vmem>>)
    %dma_wait3A_379 = arith.constant 3 : i32
    %dma_wait3A_380 = arith.constant 3 : i32
    %dma_wait3A_381 = arith.constant 384 : i32
    %dma_wait3A_382 = arith.constant 0 : i32
    %dma_wait3A_383 = tpu.memref_slice %arg20[%dma_wait3A_381, %dma_wait3A_382] : memref<512x32xf32, #tpu.memory_space<vmem>> -> memref<128x32xf32, #tpu.memory_space<vmem>>
    %dma_wait3A_384 = arith.constant 0 : i32
    %dma_wait3A_385 = tpu.memref_slice %arg17[%dma_wait3A_379, %dma_wait3A_380, %dma_wait3A_384] : memref<6x4x128xi32, #tpu.memory_space<vmem>> -> memref<1x1x128xi32, #tpu.memory_space<vmem>>
    %dma_wait3A_386 = tpu.memref_squeeze %dma_wait3A_385 : memref<1x1x128xi32, #tpu.memory_space<vmem>> -> memref<128xi32, #tpu.memory_space<vmem>>
    %dma_wait3A_387 = arith.constant 0 : i32
    %dma_wait3A_388 = arith.constant 0 : i32
    %dma_wait3A_389 = tpu.memref_slice %arg3[%dma_wait3A_387, %dma_wait3A_388] : memref<1001x32xf32, #tpu.memory_space<hbm>> -> memref<1001x32xf32, #tpu.memory_space<hbm>>
    tpu.wait_indirect_dma semaphore(%arg22 : memref<!tpu.dma_semaphore, #tpu.memory_space<semaphore_mem>>) src(%dma_wait3A_389 : memref<1001x32xf32, #tpu.memory_space<hbm>>) dst(%dma_wait3A_383 : memref<128x32xf32, #tpu.memory_space<vmem>>)
    %dma_wait3A_390 = arith.constant 0 : i32
    %dma_wait3A_391 = tpu.memref_slice %arg13[%mul3A_2, %dma_wait3A_390] : memref<16384x64xf32, #tpu.memory_space<hbm>> -> memref<512x64xf32, #tpu.memory_space<hbm>>
    %dma_wait3A_392 = arith.constant 0 : i32
    %dma_wait3A_393 = tpu.memref_slice %arg13[%mul3A_2, %dma_wait3A_392] : memref<16384x64xf32, #tpu.memory_space<hbm>> -> memref<512x64xf32, #tpu.memory_space<hbm>>
    tpu.wait_dma2 semaphore(%arg23 : memref<!tpu.dma_semaphore, #tpu.memory_space<semaphore_mem>>) src(%arg18 : memref<512x64xf32, #tpu.memory_space<vmem>>) dst(%dma_wait3A_393 : memref<512x64xf32, #tpu.memory_space<hbm>>)
    %dma_start3A_394 = arith.constant 4 : i32
    %dma_start3A_395 = arith.constant 0 : i32
    %dma_start3A_396 = arith.constant 0 : i32
    %dma_start3A_397 = arith.constant 0 : i32
    %dma_start3A_398 = tpu.memref_slice %arg21[%dma_start3A_396, %dma_start3A_397] : memref<512x32xf32, #tpu.memory_space<vmem>> -> memref<128x32xf32, #tpu.memory_space<vmem>>
    %dma_start3A_399 = arith.constant 0 : i32
    %dma_start3A_400 = tpu.memref_slice %arg17[%dma_start3A_394, %dma_start3A_395, %dma_start3A_399] : memref<6x4x128xi32, #tpu.memory_space<vmem>> -> memref<1x1x128xi32, #tpu.memory_space<vmem>>
    %dma_start3A_401 = tpu.memref_squeeze %dma_start3A_400 : memref<1x1x128xi32, #tpu.memory_space<vmem>> -> memref<128xi32, #tpu.memory_space<vmem>>
    %dma_start3A_402 = arith.constant 0 : i32
    %dma_start3A_403 = arith.constant 0 : i32
    %dma_start3A_404 = tpu.memref_slice %arg4[%dma_start3A_402, %dma_start3A_403] : memref<1001x32xf32, #tpu.memory_space<hbm>> -> memref<1001x32xf32, #tpu.memory_space<hbm>>
    tpu.enqueue_indirect_dma source(%dma_start3A_404 : memref<1001x32xf32, #tpu.memory_space<hbm>>) target(%dma_start3A_398 : memref<128x32xf32, #tpu.memory_space<vmem>>) offsets(%dma_start3A_401 : memref<128xi32, #tpu.memory_space<vmem>>) semaphore(%arg22 : memref<!tpu.dma_semaphore, #tpu.memory_space<semaphore_mem>>)
    %dma_start3A_405 = arith.constant 4 : i32
    %dma_start3A_406 = arith.constant 1 : i32
    %dma_start3A_407 = arith.constant 128 : i32
    %dma_start3A_408 = arith.constant 0 : i32
    %dma_start3A_409 = tpu.memref_slice %arg21[%dma_start3A_407, %dma_start3A_408] : memref<512x32xf32, #tpu.memory_space<vmem>> -> memref<128x32xf32, #tpu.memory_space<vmem>>
    %dma_start3A_410 = arith.constant 0 : i32
    %dma_start3A_411 = tpu.memref_slice %arg17[%dma_start3A_405, %dma_start3A_406, %dma_start3A_410] : memref<6x4x128xi32, #tpu.memory_space<vmem>> -> memref<1x1x128xi32, #tpu.memory_space<vmem>>
    %dma_start3A_412 = tpu.memref_squeeze %dma_start3A_411 : memref<1x1x128xi32, #tpu.memory_space<vmem>> -> memref<128xi32, #tpu.memory_space<vmem>>
    %dma_start3A_413 = arith.constant 0 : i32
    %dma_start3A_414 = arith.constant 0 : i32
    %dma_start3A_415 = tpu.memref_slice %arg4[%dma_start3A_413, %dma_start3A_414] : memref<1001x32xf32, #tpu.memory_space<hbm>> -> memref<1001x32xf32, #tpu.memory_space<hbm>>
    tpu.enqueue_indirect_dma source(%dma_start3A_415 : memref<1001x32xf32, #tpu.memory_space<hbm>>) target(%dma_start3A_409 : memref<128x32xf32, #tpu.memory_space<vmem>>) offsets(%dma_start3A_412 : memref<128xi32, #tpu.memory_space<vmem>>) semaphore(%arg22 : memref<!tpu.dma_semaphore, #tpu.memory_space<semaphore_mem>>)
    %dma_start3A_416 = arith.constant 4 : i32
    %dma_start3A_417 = arith.constant 2 : i32
    %dma_start3A_418 = arith.constant 256 : i32
    %dma_start3A_419 = arith.constant 0 : i32
    %dma_start3A_420 = tpu.memref_slice %arg21[%dma_start3A_418, %dma_start3A_419] : memref<512x32xf32, #tpu.memory_space<vmem>> -> memref<128x32xf32, #tpu.memory_space<vmem>>
    %dma_start3A_421 = arith.constant 0 : i32
    %dma_start3A_422 = tpu.memref_slice %arg17[%dma_start3A_416, %dma_start3A_417, %dma_start3A_421] : memref<6x4x128xi32, #tpu.memory_space<vmem>> -> memref<1x1x128xi32, #tpu.memory_space<vmem>>
    %dma_start3A_423 = tpu.memref_squeeze %dma_start3A_422 : memref<1x1x128xi32, #tpu.memory_space<vmem>> -> memref<128xi32, #tpu.memory_space<vmem>>
    %dma_start3A_424 = arith.constant 0 : i32
    %dma_start3A_425 = arith.constant 0 : i32
    %dma_start3A_426 = tpu.memref_slice %arg4[%dma_start3A_424, %dma_start3A_425] : memref<1001x32xf32, #tpu.memory_space<hbm>> -> memref<1001x32xf32, #tpu.memory_space<hbm>>
    tpu.enqueue_indirect_dma source(%dma_start3A_426 : memref<1001x32xf32, #tpu.memory_space<hbm>>) target(%dma_start3A_420 : memref<128x32xf32, #tpu.memory_space<vmem>>) offsets(%dma_start3A_423 : memref<128xi32, #tpu.memory_space<vmem>>) semaphore(%arg22 : memref<!tpu.dma_semaphore, #tpu.memory_space<semaphore_mem>>)
    %dma_start3A_427 = arith.constant 4 : i32
    %dma_start3A_428 = arith.constant 3 : i32
    %dma_start3A_429 = arith.constant 384 : i32
    %dma_start3A_430 = arith.constant 0 : i32
    %dma_start3A_431 = tpu.memref_slice %arg21[%dma_start3A_429, %dma_start3A_430] : memref<512x32xf32, #tpu.memory_space<vmem>> -> memref<128x32xf32, #tpu.memory_space<vmem>>
    %dma_start3A_432 = arith.constant 0 : i32
    %dma_start3A_433 = tpu.memref_slice %arg17[%dma_start3A_427, %dma_start3A_428, %dma_start3A_432] : memref<6x4x128xi32, #tpu.memory_space<vmem>> -> memref<1x1x128xi32, #tpu.memory_space<vmem>>
    %dma_start3A_434 = tpu.memref_squeeze %dma_start3A_433 : memref<1x1x128xi32, #tpu.memory_space<vmem>> -> memref<128xi32, #tpu.memory_space<vmem>>
    %dma_start3A_435 = arith.constant 0 : i32
    %dma_start3A_436 = arith.constant 0 : i32
    %dma_start3A_437 = tpu.memref_slice %arg4[%dma_start3A_435, %dma_start3A_436] : memref<1001x32xf32, #tpu.memory_space<hbm>> -> memref<1001x32xf32, #tpu.memory_space<hbm>>
    tpu.enqueue_indirect_dma source(%dma_start3A_437 : memref<1001x32xf32, #tpu.memory_space<hbm>>) target(%dma_start3A_431 : memref<128x32xf32, #tpu.memory_space<vmem>>) offsets(%dma_start3A_434 : memref<128xi32, #tpu.memory_space<vmem>>) semaphore(%arg22 : memref<!tpu.dma_semaphore, #tpu.memory_space<semaphore_mem>>)
    %dma_start3A_438 = arith.constant 0 : i32
    %dma_start3A_439 = tpu.memref_slice %arg14[%mul3A_2, %dma_start3A_438] : memref<16384x32xf32, #tpu.memory_space<hbm>> -> memref<512x32xf32, #tpu.memory_space<hbm>>
    %dma_start3A_440 = arith.constant 0 : i32
    %dma_start3A_441 = tpu.memref_slice %arg14[%mul3A_2, %dma_start3A_440] : memref<16384x32xf32, #tpu.memory_space<hbm>> -> memref<512x32xf32, #tpu.memory_space<hbm>>
    tpu.enqueue_dma source(%arg20 : memref<512x32xf32, #tpu.memory_space<vmem>>) target(%dma_start3A_441 : memref<512x32xf32, #tpu.memory_space<hbm>>) target_semaphore(%arg23 : memref<!tpu.dma_semaphore, #tpu.memory_space<semaphore_mem>>)
    %dma_wait3A_442 = arith.constant 4 : i32
    %dma_wait3A_443 = arith.constant 0 : i32
    %dma_wait3A_444 = arith.constant 0 : i32
    %dma_wait3A_445 = arith.constant 0 : i32
    %dma_wait3A_446 = tpu.memref_slice %arg21[%dma_wait3A_444, %dma_wait3A_445] : memref<512x32xf32, #tpu.memory_space<vmem>> -> memref<128x32xf32, #tpu.memory_space<vmem>>
    %dma_wait3A_447 = arith.constant 0 : i32
    %dma_wait3A_448 = tpu.memref_slice %arg17[%dma_wait3A_442, %dma_wait3A_443, %dma_wait3A_447] : memref<6x4x128xi32, #tpu.memory_space<vmem>> -> memref<1x1x128xi32, #tpu.memory_space<vmem>>
    %dma_wait3A_449 = tpu.memref_squeeze %dma_wait3A_448 : memref<1x1x128xi32, #tpu.memory_space<vmem>> -> memref<128xi32, #tpu.memory_space<vmem>>
    %dma_wait3A_450 = arith.constant 0 : i32
    %dma_wait3A_451 = arith.constant 0 : i32
    %dma_wait3A_452 = tpu.memref_slice %arg4[%dma_wait3A_450, %dma_wait3A_451] : memref<1001x32xf32, #tpu.memory_space<hbm>> -> memref<1001x32xf32, #tpu.memory_space<hbm>>
    tpu.wait_indirect_dma semaphore(%arg22 : memref<!tpu.dma_semaphore, #tpu.memory_space<semaphore_mem>>) src(%dma_wait3A_452 : memref<1001x32xf32, #tpu.memory_space<hbm>>) dst(%dma_wait3A_446 : memref<128x32xf32, #tpu.memory_space<vmem>>)
    %dma_wait3A_453 = arith.constant 4 : i32
    %dma_wait3A_454 = arith.constant 1 : i32
    %dma_wait3A_455 = arith.constant 128 : i32
    %dma_wait3A_456 = arith.constant 0 : i32
    %dma_wait3A_457 = tpu.memref_slice %arg21[%dma_wait3A_455, %dma_wait3A_456] : memref<512x32xf32, #tpu.memory_space<vmem>> -> memref<128x32xf32, #tpu.memory_space<vmem>>
    %dma_wait3A_458 = arith.constant 0 : i32
    %dma_wait3A_459 = tpu.memref_slice %arg17[%dma_wait3A_453, %dma_wait3A_454, %dma_wait3A_458] : memref<6x4x128xi32, #tpu.memory_space<vmem>> -> memref<1x1x128xi32, #tpu.memory_space<vmem>>
    %dma_wait3A_460 = tpu.memref_squeeze %dma_wait3A_459 : memref<1x1x128xi32, #tpu.memory_space<vmem>> -> memref<128xi32, #tpu.memory_space<vmem>>
    %dma_wait3A_461 = arith.constant 0 : i32
    %dma_wait3A_462 = arith.constant 0 : i32
    %dma_wait3A_463 = tpu.memref_slice %arg4[%dma_wait3A_461, %dma_wait3A_462] : memref<1001x32xf32, #tpu.memory_space<hbm>> -> memref<1001x32xf32, #tpu.memory_space<hbm>>
    tpu.wait_indirect_dma semaphore(%arg22 : memref<!tpu.dma_semaphore, #tpu.memory_space<semaphore_mem>>) src(%dma_wait3A_463 : memref<1001x32xf32, #tpu.memory_space<hbm>>) dst(%dma_wait3A_457 : memref<128x32xf32, #tpu.memory_space<vmem>>)
    %dma_wait3A_464 = arith.constant 4 : i32
    %dma_wait3A_465 = arith.constant 2 : i32
    %dma_wait3A_466 = arith.constant 256 : i32
    %dma_wait3A_467 = arith.constant 0 : i32
    %dma_wait3A_468 = tpu.memref_slice %arg21[%dma_wait3A_466, %dma_wait3A_467] : memref<512x32xf32, #tpu.memory_space<vmem>> -> memref<128x32xf32, #tpu.memory_space<vmem>>
    %dma_wait3A_469 = arith.constant 0 : i32
    %dma_wait3A_470 = tpu.memref_slice %arg17[%dma_wait3A_464, %dma_wait3A_465, %dma_wait3A_469] : memref<6x4x128xi32, #tpu.memory_space<vmem>> -> memref<1x1x128xi32, #tpu.memory_space<vmem>>
    %dma_wait3A_471 = tpu.memref_squeeze %dma_wait3A_470 : memref<1x1x128xi32, #tpu.memory_space<vmem>> -> memref<128xi32, #tpu.memory_space<vmem>>
    %dma_wait3A_472 = arith.constant 0 : i32
    %dma_wait3A_473 = arith.constant 0 : i32
    %dma_wait3A_474 = tpu.memref_slice %arg4[%dma_wait3A_472, %dma_wait3A_473] : memref<1001x32xf32, #tpu.memory_space<hbm>> -> memref<1001x32xf32, #tpu.memory_space<hbm>>
    tpu.wait_indirect_dma semaphore(%arg22 : memref<!tpu.dma_semaphore, #tpu.memory_space<semaphore_mem>>) src(%dma_wait3A_474 : memref<1001x32xf32, #tpu.memory_space<hbm>>) dst(%dma_wait3A_468 : memref<128x32xf32, #tpu.memory_space<vmem>>)
    %dma_wait3A_475 = arith.constant 4 : i32
    %dma_wait3A_476 = arith.constant 3 : i32
    %dma_wait3A_477 = arith.constant 384 : i32
    %dma_wait3A_478 = arith.constant 0 : i32
    %dma_wait3A_479 = tpu.memref_slice %arg21[%dma_wait3A_477, %dma_wait3A_478] : memref<512x32xf32, #tpu.memory_space<vmem>> -> memref<128x32xf32, #tpu.memory_space<vmem>>
    %dma_wait3A_480 = arith.constant 0 : i32
    %dma_wait3A_481 = tpu.memref_slice %arg17[%dma_wait3A_475, %dma_wait3A_476, %dma_wait3A_480] : memref<6x4x128xi32, #tpu.memory_space<vmem>> -> memref<1x1x128xi32, #tpu.memory_space<vmem>>
    %dma_wait3A_482 = tpu.memref_squeeze %dma_wait3A_481 : memref<1x1x128xi32, #tpu.memory_space<vmem>> -> memref<128xi32, #tpu.memory_space<vmem>>
    %dma_wait3A_483 = arith.constant 0 : i32
    %dma_wait3A_484 = arith.constant 0 : i32
    %dma_wait3A_485 = tpu.memref_slice %arg4[%dma_wait3A_483, %dma_wait3A_484] : memref<1001x32xf32, #tpu.memory_space<hbm>> -> memref<1001x32xf32, #tpu.memory_space<hbm>>
    tpu.wait_indirect_dma semaphore(%arg22 : memref<!tpu.dma_semaphore, #tpu.memory_space<semaphore_mem>>) src(%dma_wait3A_485 : memref<1001x32xf32, #tpu.memory_space<hbm>>) dst(%dma_wait3A_479 : memref<128x32xf32, #tpu.memory_space<vmem>>)
    %dma_wait3A_486 = arith.constant 0 : i32
    %dma_wait3A_487 = tpu.memref_slice %arg14[%mul3A_2, %dma_wait3A_486] : memref<16384x32xf32, #tpu.memory_space<hbm>> -> memref<512x32xf32, #tpu.memory_space<hbm>>
    %dma_wait3A_488 = arith.constant 0 : i32
    %dma_wait3A_489 = tpu.memref_slice %arg14[%mul3A_2, %dma_wait3A_488] : memref<16384x32xf32, #tpu.memory_space<hbm>> -> memref<512x32xf32, #tpu.memory_space<hbm>>
    tpu.wait_dma2 semaphore(%arg23 : memref<!tpu.dma_semaphore, #tpu.memory_space<semaphore_mem>>) src(%arg20 : memref<512x32xf32, #tpu.memory_space<vmem>>) dst(%dma_wait3A_489 : memref<512x32xf32, #tpu.memory_space<hbm>>)
    %dma_start3A_490 = arith.constant 5 : i32
    %dma_start3A_491 = arith.constant 0 : i32
    %dma_start3A_492 = arith.constant 0 : i32
    %dma_start3A_493 = arith.constant 0 : i32
    %dma_start3A_494 = tpu.memref_slice %arg20[%dma_start3A_492, %dma_start3A_493] : memref<512x32xf32, #tpu.memory_space<vmem>> -> memref<128x32xf32, #tpu.memory_space<vmem>>
    %dma_start3A_495 = arith.constant 0 : i32
    %dma_start3A_496 = tpu.memref_slice %arg17[%dma_start3A_490, %dma_start3A_491, %dma_start3A_495] : memref<6x4x128xi32, #tpu.memory_space<vmem>> -> memref<1x1x128xi32, #tpu.memory_space<vmem>>
    %dma_start3A_497 = tpu.memref_squeeze %dma_start3A_496 : memref<1x1x128xi32, #tpu.memory_space<vmem>> -> memref<128xi32, #tpu.memory_space<vmem>>
    %dma_start3A_498 = arith.constant 0 : i32
    %dma_start3A_499 = arith.constant 0 : i32
    %dma_start3A_500 = tpu.memref_slice %arg4[%dma_start3A_498, %dma_start3A_499] : memref<1001x32xf32, #tpu.memory_space<hbm>> -> memref<1001x32xf32, #tpu.memory_space<hbm>>
    tpu.enqueue_indirect_dma source(%dma_start3A_500 : memref<1001x32xf32, #tpu.memory_space<hbm>>) target(%dma_start3A_494 : memref<128x32xf32, #tpu.memory_space<vmem>>) offsets(%dma_start3A_497 : memref<128xi32, #tpu.memory_space<vmem>>) semaphore(%arg22 : memref<!tpu.dma_semaphore, #tpu.memory_space<semaphore_mem>>)
    %dma_start3A_501 = arith.constant 5 : i32
    %dma_start3A_502 = arith.constant 1 : i32
    %dma_start3A_503 = arith.constant 128 : i32
    %dma_start3A_504 = arith.constant 0 : i32
    %dma_start3A_505 = tpu.memref_slice %arg20[%dma_start3A_503, %dma_start3A_504] : memref<512x32xf32, #tpu.memory_space<vmem>> -> memref<128x32xf32, #tpu.memory_space<vmem>>
    %dma_start3A_506 = arith.constant 0 : i32
    %dma_start3A_507 = tpu.memref_slice %arg17[%dma_start3A_501, %dma_start3A_502, %dma_start3A_506] : memref<6x4x128xi32, #tpu.memory_space<vmem>> -> memref<1x1x128xi32, #tpu.memory_space<vmem>>
    %dma_start3A_508 = tpu.memref_squeeze %dma_start3A_507 : memref<1x1x128xi32, #tpu.memory_space<vmem>> -> memref<128xi32, #tpu.memory_space<vmem>>
    %dma_start3A_509 = arith.constant 0 : i32
    %dma_start3A_510 = arith.constant 0 : i32
    %dma_start3A_511 = tpu.memref_slice %arg4[%dma_start3A_509, %dma_start3A_510] : memref<1001x32xf32, #tpu.memory_space<hbm>> -> memref<1001x32xf32, #tpu.memory_space<hbm>>
    tpu.enqueue_indirect_dma source(%dma_start3A_511 : memref<1001x32xf32, #tpu.memory_space<hbm>>) target(%dma_start3A_505 : memref<128x32xf32, #tpu.memory_space<vmem>>) offsets(%dma_start3A_508 : memref<128xi32, #tpu.memory_space<vmem>>) semaphore(%arg22 : memref<!tpu.dma_semaphore, #tpu.memory_space<semaphore_mem>>)
    %dma_start3A_512 = arith.constant 5 : i32
    %dma_start3A_513 = arith.constant 2 : i32
    %dma_start3A_514 = arith.constant 256 : i32
    %dma_start3A_515 = arith.constant 0 : i32
    %dma_start3A_516 = tpu.memref_slice %arg20[%dma_start3A_514, %dma_start3A_515] : memref<512x32xf32, #tpu.memory_space<vmem>> -> memref<128x32xf32, #tpu.memory_space<vmem>>
    %dma_start3A_517 = arith.constant 0 : i32
    %dma_start3A_518 = tpu.memref_slice %arg17[%dma_start3A_512, %dma_start3A_513, %dma_start3A_517] : memref<6x4x128xi32, #tpu.memory_space<vmem>> -> memref<1x1x128xi32, #tpu.memory_space<vmem>>
    %dma_start3A_519 = tpu.memref_squeeze %dma_start3A_518 : memref<1x1x128xi32, #tpu.memory_space<vmem>> -> memref<128xi32, #tpu.memory_space<vmem>>
    %dma_start3A_520 = arith.constant 0 : i32
    %dma_start3A_521 = arith.constant 0 : i32
    %dma_start3A_522 = tpu.memref_slice %arg4[%dma_start3A_520, %dma_start3A_521] : memref<1001x32xf32, #tpu.memory_space<hbm>> -> memref<1001x32xf32, #tpu.memory_space<hbm>>
    tpu.enqueue_indirect_dma source(%dma_start3A_522 : memref<1001x32xf32, #tpu.memory_space<hbm>>) target(%dma_start3A_516 : memref<128x32xf32, #tpu.memory_space<vmem>>) offsets(%dma_start3A_519 : memref<128xi32, #tpu.memory_space<vmem>>) semaphore(%arg22 : memref<!tpu.dma_semaphore, #tpu.memory_space<semaphore_mem>>)
    %dma_start3A_523 = arith.constant 5 : i32
    %dma_start3A_524 = arith.constant 3 : i32
    %dma_start3A_525 = arith.constant 384 : i32
    %dma_start3A_526 = arith.constant 0 : i32
    %dma_start3A_527 = tpu.memref_slice %arg20[%dma_start3A_525, %dma_start3A_526] : memref<512x32xf32, #tpu.memory_space<vmem>> -> memref<128x32xf32, #tpu.memory_space<vmem>>
    %dma_start3A_528 = arith.constant 0 : i32
    %dma_start3A_529 = tpu.memref_slice %arg17[%dma_start3A_523, %dma_start3A_524, %dma_start3A_528] : memref<6x4x128xi32, #tpu.memory_space<vmem>> -> memref<1x1x128xi32, #tpu.memory_space<vmem>>
    %dma_start3A_530 = tpu.memref_squeeze %dma_start3A_529 : memref<1x1x128xi32, #tpu.memory_space<vmem>> -> memref<128xi32, #tpu.memory_space<vmem>>
    %dma_start3A_531 = arith.constant 0 : i32
    %dma_start3A_532 = arith.constant 0 : i32
    %dma_start3A_533 = tpu.memref_slice %arg4[%dma_start3A_531, %dma_start3A_532] : memref<1001x32xf32, #tpu.memory_space<hbm>> -> memref<1001x32xf32, #tpu.memory_space<hbm>>
    tpu.enqueue_indirect_dma source(%dma_start3A_533 : memref<1001x32xf32, #tpu.memory_space<hbm>>) target(%dma_start3A_527 : memref<128x32xf32, #tpu.memory_space<vmem>>) offsets(%dma_start3A_530 : memref<128xi32, #tpu.memory_space<vmem>>) semaphore(%arg22 : memref<!tpu.dma_semaphore, #tpu.memory_space<semaphore_mem>>)
    %dma_start3A_534 = arith.constant 0 : i32
    %dma_start3A_535 = tpu.memref_slice %arg15[%mul3A_2, %dma_start3A_534] : memref<16384x32xf32, #tpu.memory_space<hbm>> -> memref<512x32xf32, #tpu.memory_space<hbm>>
    %dma_start3A_536 = arith.constant 0 : i32
    %dma_start3A_537 = tpu.memref_slice %arg15[%mul3A_2, %dma_start3A_536] : memref<16384x32xf32, #tpu.memory_space<hbm>> -> memref<512x32xf32, #tpu.memory_space<hbm>>
    tpu.enqueue_dma source(%arg21 : memref<512x32xf32, #tpu.memory_space<vmem>>) target(%dma_start3A_537 : memref<512x32xf32, #tpu.memory_space<hbm>>) target_semaphore(%arg23 : memref<!tpu.dma_semaphore, #tpu.memory_space<semaphore_mem>>)
    %dma_wait3A_538 = arith.constant 5 : i32
    %dma_wait3A_539 = arith.constant 0 : i32
    %dma_wait3A_540 = arith.constant 0 : i32
    %dma_wait3A_541 = arith.constant 0 : i32
    %dma_wait3A_542 = tpu.memref_slice %arg20[%dma_wait3A_540, %dma_wait3A_541] : memref<512x32xf32, #tpu.memory_space<vmem>> -> memref<128x32xf32, #tpu.memory_space<vmem>>
    %dma_wait3A_543 = arith.constant 0 : i32
    %dma_wait3A_544 = tpu.memref_slice %arg17[%dma_wait3A_538, %dma_wait3A_539, %dma_wait3A_543] : memref<6x4x128xi32, #tpu.memory_space<vmem>> -> memref<1x1x128xi32, #tpu.memory_space<vmem>>
    %dma_wait3A_545 = tpu.memref_squeeze %dma_wait3A_544 : memref<1x1x128xi32, #tpu.memory_space<vmem>> -> memref<128xi32, #tpu.memory_space<vmem>>
    %dma_wait3A_546 = arith.constant 0 : i32
    %dma_wait3A_547 = arith.constant 0 : i32
    %dma_wait3A_548 = tpu.memref_slice %arg4[%dma_wait3A_546, %dma_wait3A_547] : memref<1001x32xf32, #tpu.memory_space<hbm>> -> memref<1001x32xf32, #tpu.memory_space<hbm>>
    tpu.wait_indirect_dma semaphore(%arg22 : memref<!tpu.dma_semaphore, #tpu.memory_space<semaphore_mem>>) src(%dma_wait3A_548 : memref<1001x32xf32, #tpu.memory_space<hbm>>) dst(%dma_wait3A_542 : memref<128x32xf32, #tpu.memory_space<vmem>>)
    %dma_wait3A_549 = arith.constant 5 : i32
    %dma_wait3A_550 = arith.constant 1 : i32
    %dma_wait3A_551 = arith.constant 128 : i32
    %dma_wait3A_552 = arith.constant 0 : i32
    %dma_wait3A_553 = tpu.memref_slice %arg20[%dma_wait3A_551, %dma_wait3A_552] : memref<512x32xf32, #tpu.memory_space<vmem>> -> memref<128x32xf32, #tpu.memory_space<vmem>>
    %dma_wait3A_554 = arith.constant 0 : i32
    %dma_wait3A_555 = tpu.memref_slice %arg17[%dma_wait3A_549, %dma_wait3A_550, %dma_wait3A_554] : memref<6x4x128xi32, #tpu.memory_space<vmem>> -> memref<1x1x128xi32, #tpu.memory_space<vmem>>
    %dma_wait3A_556 = tpu.memref_squeeze %dma_wait3A_555 : memref<1x1x128xi32, #tpu.memory_space<vmem>> -> memref<128xi32, #tpu.memory_space<vmem>>
    %dma_wait3A_557 = arith.constant 0 : i32
    %dma_wait3A_558 = arith.constant 0 : i32
    %dma_wait3A_559 = tpu.memref_slice %arg4[%dma_wait3A_557, %dma_wait3A_558] : memref<1001x32xf32, #tpu.memory_space<hbm>> -> memref<1001x32xf32, #tpu.memory_space<hbm>>
    tpu.wait_indirect_dma semaphore(%arg22 : memref<!tpu.dma_semaphore, #tpu.memory_space<semaphore_mem>>) src(%dma_wait3A_559 : memref<1001x32xf32, #tpu.memory_space<hbm>>) dst(%dma_wait3A_553 : memref<128x32xf32, #tpu.memory_space<vmem>>)
    %dma_wait3A_560 = arith.constant 5 : i32
    %dma_wait3A_561 = arith.constant 2 : i32
    %dma_wait3A_562 = arith.constant 256 : i32
    %dma_wait3A_563 = arith.constant 0 : i32
    %dma_wait3A_564 = tpu.memref_slice %arg20[%dma_wait3A_562, %dma_wait3A_563] : memref<512x32xf32, #tpu.memory_space<vmem>> -> memref<128x32xf32, #tpu.memory_space<vmem>>
    %dma_wait3A_565 = arith.constant 0 : i32
    %dma_wait3A_566 = tpu.memref_slice %arg17[%dma_wait3A_560, %dma_wait3A_561, %dma_wait3A_565] : memref<6x4x128xi32, #tpu.memory_space<vmem>> -> memref<1x1x128xi32, #tpu.memory_space<vmem>>
    %dma_wait3A_567 = tpu.memref_squeeze %dma_wait3A_566 : memref<1x1x128xi32, #tpu.memory_space<vmem>> -> memref<128xi32, #tpu.memory_space<vmem>>
    %dma_wait3A_568 = arith.constant 0 : i32
    %dma_wait3A_569 = arith.constant 0 : i32
    %dma_wait3A_570 = tpu.memref_slice %arg4[%dma_wait3A_568, %dma_wait3A_569] : memref<1001x32xf32, #tpu.memory_space<hbm>> -> memref<1001x32xf32, #tpu.memory_space<hbm>>
    tpu.wait_indirect_dma semaphore(%arg22 : memref<!tpu.dma_semaphore, #tpu.memory_space<semaphore_mem>>) src(%dma_wait3A_570 : memref<1001x32xf32, #tpu.memory_space<hbm>>) dst(%dma_wait3A_564 : memref<128x32xf32, #tpu.memory_space<vmem>>)
    %dma_wait3A_571 = arith.constant 5 : i32
    %dma_wait3A_572 = arith.constant 3 : i32
    %dma_wait3A_573 = arith.constant 384 : i32
    %dma_wait3A_574 = arith.constant 0 : i32
    %dma_wait3A_575 = tpu.memref_slice %arg20[%dma_wait3A_573, %dma_wait3A_574] : memref<512x32xf32, #tpu.memory_space<vmem>> -> memref<128x32xf32, #tpu.memory_space<vmem>>
    %dma_wait3A_576 = arith.constant 0 : i32
    %dma_wait3A_577 = tpu.memref_slice %arg17[%dma_wait3A_571, %dma_wait3A_572, %dma_wait3A_576] : memref<6x4x128xi32, #tpu.memory_space<vmem>> -> memref<1x1x128xi32, #tpu.memory_space<vmem>>
    %dma_wait3A_578 = tpu.memref_squeeze %dma_wait3A_577 : memref<1x1x128xi32, #tpu.memory_space<vmem>> -> memref<128xi32, #tpu.memory_space<vmem>>
    %dma_wait3A_579 = arith.constant 0 : i32
    %dma_wait3A_580 = arith.constant 0 : i32
    %dma_wait3A_581 = tpu.memref_slice %arg4[%dma_wait3A_579, %dma_wait3A_580] : memref<1001x32xf32, #tpu.memory_space<hbm>> -> memref<1001x32xf32, #tpu.memory_space<hbm>>
    tpu.wait_indirect_dma semaphore(%arg22 : memref<!tpu.dma_semaphore, #tpu.memory_space<semaphore_mem>>) src(%dma_wait3A_581 : memref<1001x32xf32, #tpu.memory_space<hbm>>) dst(%dma_wait3A_575 : memref<128x32xf32, #tpu.memory_space<vmem>>)
    %dma_wait3A_582 = arith.constant 0 : i32
    %dma_wait3A_583 = tpu.memref_slice %arg15[%mul3A_2, %dma_wait3A_582] : memref<16384x32xf32, #tpu.memory_space<hbm>> -> memref<512x32xf32, #tpu.memory_space<hbm>>
    %dma_wait3A_584 = arith.constant 0 : i32
    %dma_wait3A_585 = tpu.memref_slice %arg15[%mul3A_2, %dma_wait3A_584] : memref<16384x32xf32, #tpu.memory_space<hbm>> -> memref<512x32xf32, #tpu.memory_space<hbm>>
    tpu.wait_dma2 semaphore(%arg23 : memref<!tpu.dma_semaphore, #tpu.memory_space<semaphore_mem>>) src(%arg21 : memref<512x32xf32, #tpu.memory_space<vmem>>) dst(%dma_wait3A_585 : memref<512x32xf32, #tpu.memory_space<hbm>>)
    %dma_start3A_586 = arith.constant 0 : i32
    %dma_start3A_587 = tpu.memref_slice %arg16[%mul3A_2, %dma_start3A_586] : memref<16384x32xf32, #tpu.memory_space<hbm>> -> memref<512x32xf32, #tpu.memory_space<hbm>>
    %dma_start3A_588 = arith.constant 0 : i32
    %dma_start3A_589 = tpu.memref_slice %arg16[%mul3A_2, %dma_start3A_588] : memref<16384x32xf32, #tpu.memory_space<hbm>> -> memref<512x32xf32, #tpu.memory_space<hbm>>
    tpu.enqueue_dma source(%arg20 : memref<512x32xf32, #tpu.memory_space<vmem>>) target(%dma_start3A_589 : memref<512x32xf32, #tpu.memory_space<hbm>>) target_semaphore(%arg23 : memref<!tpu.dma_semaphore, #tpu.memory_space<semaphore_mem>>)
    %dma_wait3A_590 = arith.constant 0 : i32
    %dma_wait3A_591 = tpu.memref_slice %arg16[%mul3A_2, %dma_wait3A_590] : memref<16384x32xf32, #tpu.memory_space<hbm>> -> memref<512x32xf32, #tpu.memory_space<hbm>>
    %dma_wait3A_592 = arith.constant 0 : i32
    %dma_wait3A_593 = tpu.memref_slice %arg16[%mul3A_2, %dma_wait3A_592] : memref<16384x32xf32, #tpu.memory_space<hbm>> -> memref<512x32xf32, #tpu.memory_space<hbm>>
    tpu.wait_dma2 semaphore(%arg23 : memref<!tpu.dma_semaphore, #tpu.memory_space<semaphore_mem>>) src(%arg20 : memref<512x32xf32, #tpu.memory_space<vmem>>) dst(%dma_wait3A_593 : memref<512x32xf32, #tpu.memory_space<hbm>>)
    return
  }
}

</mosaic_0001>

<sc_bundles>
// kernel: _run.3.cloned.1.call-start
scs
__scs_entry_jumppad:
0x0: {  	(pc) =	sbr.rel $0x88, $3  }
0x1: {  	(tag) =	ssettag $0x0;
	lr =	simm.s32 $0x1  }
0x2: {  	[smem:$0x3F98] =	sst lr;
	_ =	strace $0xD0000000  }
0x3: {  	_ = 	snop  }
0x4: {  	_ = 	snop  }
0x5: {  	_ = 	snop  }
0x6: {  	_ = 	snop  }
0x7: {  	_ = 	snop  }
__scs_overlays_trampoline_lowered:
0x8: {  	[smem:$0x3FA7] =	sst s0  }
0x9: {  	[smem:$0x3FA8] =	sst s1  }
0xa: {  	[smem:$0x3FA9] =	sst s2  }
0xb: {  	[smem:$0x3FAA] =	sst s3  }
0xc: {  	[smem:$0x3FAB] =	sst s4  }
0xd: {  	[smem:$0x3FAC] =	sst s5  }
0xe: {  	[smem:$0x3FAD] =	sst s6  }
0xf: {  	[smem:$0x3FAE] =	sst s7  }
0x10: {  	[smem:$0x3FAF] =	sst s8  }
0x11: {  	[smem:$0x3FB0] =	sst s9;
	s0 =	simm.s32 @!p0 $0x0  }
0x12: {  	s1 =	sld [smem:$0x3F96];
	s0 =	simm.s32 @p0 $0x1  }
0x13: {  	[smem:$0x3FB1] =	sst s0;
	s0 =	simm.s32 @!p1 $0x0  }
0x14: {  	s2 =	sld [smem:$0x3F95];
	s0 =	simm.s32 @p1 $0x1  }
0x15: {  	[smem:$0x3FB2] =	sst s0;
	s0 =	simm.s32 @!p2 $0x0  }
0x16: {  	s3 =	sld [smem:$0x3FDB];
	s0 =	simm.s32 @p2 $0x1  }
0x17: {  	s4 =	simm.s32 $0x1BF5;
	[smem:$0x3FB4] =	sst s0  }
0x18: {  	s0 =	sld [smem:$0x3F97];
	_ =	swait.ge [sflag:s4], $0x0  }
0x19: {  	s7 =	sld [smem:$0x3F98]  }
0x1a: {  	s8 =	sadd.s32 $0xFFFFE003, lr  }
0x1b: {  	s9 =	sadd.s32 $0xFFFFFEF7, lr;
	s5 =	simm.s32 $0xFFFFFFFF;
	p2 =	slt.u32 s8, $0xFFFFF086  }
0x1c: {  	p1 =	slt.u32 s9, $0xF7A;
	s5 =	simm.s32 @!p2 $0x0  }
0x1d: {  	s5 =	simm.s32 @p1 $0x1;
	p0 =	seq.s32 s7, s2  }
0x1e: {  	s7 =	smul.u32 @!p0 $0xF7A, s2;
	p2 =	seq.s32 @!p0 s5, $0x0  }
0x1f: {  	s9 =	smul.u32 $0xF7A, s1;
	s8 =	simm.s32 @!p0 $0x1BF5;
	p2 =	por !p2, p0  }
0x20: {  	[sflag:s8] =	ssyncset.s32 @!p0 $0xFFFFF086;
	s6 =	sadd.s32 @!p0 s3, s7;
	s7 =	simm.s32 @!p0 $0x108  }
0x21: {  	s3 =	sadd.s32 s3, s9;
	s6 =	sadd.s32 @!p0 $0x88, s6;
	s7 =	simm.s32 @p2 $0x1082  }
0x22: {  	[simem:s7], [sflag:s8] =	dma.local @!p0 [hbm:s6], $0xF7A  }
0x23: {  	s9 =	sor.u32 $0xD0000000, s2;
	s6 =	simm.s32 $0x108;
	_ =	swait.ge @!p0 [sflag:s8], $0x0  }
0x24: {  	s3 =	sadd.s32 $0x88, s3;
	s6 =	simm.s32 @!p1 $0x1082;
	[sflag:s4] =	ssyncset.s32 $0xFFFFF086  }
0x25: {  	[simem:s6], [sflag:s4] =	dma.local [hbm:s3], $0xF7A  }
0x26: {  	[smem:$0x3F98] =	sst s1;
	(tag) =	ssettag s2;
	_ =	strace s9  }
0x27: {  	s1 =	sld [smem:$0x3FA8]  }
0x28: {  	s2 =	sld [smem:$0x3FA9]  }
0x29: {  	s4 =	sld [smem:$0x3FAB]  }
0x2a: {  	p0 =	seq.s32 s5, $0x0;
	s5 =	sld [smem:$0x3FAC]  }
0x2b: {  	s6 =	sld [smem:$0x3FAD]  }
0x2c: {  	s7 =	sld [smem:$0x3FAE]  }
0x2d: {  	s3 =	simm.s32 $0x108;
	s8 =	sld [smem:$0x3FAF]  }
0x2e: {  	s3 =	simm.s32 @!p0 $0x1082;
	s9 =	sld [smem:$0x3FB0]  }
0x2f: {  	lr =	sadd.s32 s0, s3;
	s0 =	sld [smem:$0x3FA7]  }
0x30: {  	s3 =	sld [smem:$0x3FAA]  }
0x31: {  	[smem:$0x3FB3] =	sst s10  }
0x32: {  	s10 =	sld [smem:$0x3FB1];
	_ =	sdelay $0x3  }
0x33: {  	p0 =	seq.s32 s10, $0x1;
	s10 =	sld [smem:$0x3FB3];
	_ =	sdelay $0x3  }
0x34: {  	[smem:$0x3FB3] =	sst s10  }
0x35: {  	s10 =	sld [smem:$0x3FB2];
	_ =	sdelay $0x3  }
0x36: {  	p1 =	seq.s32 s10, $0x1;
	s10 =	sld [smem:$0x3FB3];
	_ =	sdelay $0x3  }
0x37: {  	[smem:$0x3FB3] =	sst s10  }
0x38: {  	s10 =	sld [smem:$0x3FB4]  }
0x39: {  	_ = 	snop;
	(pc) =	sbr.ind lr, $3  }
0x3a: {  	_ = 	snop  }
0x3b: {  	_ = 	snop  }
0x3c: {  	p2 =	seq.s32 s10, $0x1;
	s10 =	sld [smem:$0x3FB3]  }
0x3d: {  	_ =	shalt  }
0x3e: {  	_ =	shalt  }
0x3f: {  	_ =	shalt  }
0x40: {  	_ =	shalt  }
0x41: {  	_ =	shalt  }
0x42: {  	_ =	shalt  }
0x43: {  	_ =	shalt  }
0x44: {  	_ =	shalt  }
0x45: {  	_ =	shalt  }
0x46: {  	_ =	shalt  }
0x47: {  	_ =	shalt  }
0x48: {  	_ =	shalt  }
0x49: {  	_ =	shalt  }
0x4a: {  	_ =	shalt  }
0x4b: {  	_ =	shalt  }
0x4c: {  	_ =	shalt  }
0x4d: {  	_ =	shalt  }
0x4e: {  	_ =	shalt  }
0x4f: {  	_ =	shalt  }
0x50: {  	_ =	shalt  }
0x51: {  	_ =	shalt  }
0x52: {  	_ =	shalt  }
0x53: {  	_ =	shalt  }
0x54: {  	_ =	shalt  }
0x55: {  	_ =	shalt  }
0x56: {  	_ =	shalt  }
0x57: {  	_ =	shalt  }
0x58: {  	_ =	shalt  }
0x59: {  	_ =	shalt  }
0x5a: {  	_ =	shalt  }
0x5b: {  	_ =	shalt  }
0x5c: {  	_ =	shalt  }
0x5d: {  	_ =	shalt  }
0x5e: {  	_ =	shalt  }
0x5f: {  	_ =	shalt  }
0x60: {  	_ =	shalt  }
0x61: {  	_ =	shalt  }
0x62: {  	_ =	shalt  }
0x63: {  	_ =	shalt  }
0x64: {  	_ =	shalt  }
0x65: {  	_ =	shalt  }
0x66: {  	_ =	shalt  }
0x67: {  	_ =	shalt  }
0x68: {  	_ =	shalt  }
0x69: {  	_ =	shalt  }
0x6a: {  	_ =	shalt  }
0x6b: {  	_ =	shalt  }
0x6c: {  	_ =	shalt  }
0x6d: {  	_ =	shalt  }
0x6e: {  	_ =	shalt  }
0x6f: {  	_ =	shalt  }
0x70: {  	_ =	shalt  }
0x71: {  	_ =	shalt  }
0x72: {  	_ =	shalt  }
0x73: {  	_ =	shalt  }
0x74: {  	_ =	shalt  }
0x75: {  	_ =	shalt  }
0x76: {  	_ =	shalt  }
0x77: {  	_ =	shalt  }
0x78: {  	_ =	shalt  }
0x79: {  	_ =	shalt  }
0x7a: {  	_ =	shalt  }
0x7b: {  	_ =	shalt  }
0x7c: {  	_ =	shalt  }
0x7d: {  	_ =	shalt  }
0x7e: {  	_ =	shalt  }
0x7f: {  	_ =	shalt  }
0x80: {  	_ =	shalt  }
0x81: {  	_ =	shalt  }
0x82: {  	_ =	shalt  }
0x83: {  	_ =	shalt  }
0x84: {  	_ =	shalt  }
0x85: {  	_ =	shalt  }
0x86: {  	_ =	shalt  }
0x87: {  	_ =	shalt  }
.Lfunc_end0:
.L_simem_size_0:
called_computation_lowered:
.L_overlay_start_0:
0x88: {  	s2 =	sld [smem:$0x3FD9]  }
0x89: {  	s3 =	sld [smem:$0x3FFE];
	_ =	sdelay $0x1  }
0x8a: {  	s1 =	srdreg.scid  }
0x8b: {  	s0 =	sand.u32 $0x1, s1  }
0x8c: {  	s28 =	sshll.u32 s0, $0xA;
	s2 =	sadd.s32 s3, s2  }
0x8d: {  	s2 =	sadd.s32 s2, s28  }
0x8e: {  	[smem:$0x3FBF] =	sst s2  }
0x8f: {  	_ = 	snop  }
0x90: {  	s2 =	sld [smem:$0x3FC6]  }
0x91: {  	s3 =	sld [smem:$0x3FC5]  }
0x92: {  	s4 =	sld [smem:$0x3FC4]  }
0x93: {  	s8 =	sld [smem:$0x3FD0]  }
0x94: {  	s5 =	sld [smem:$0x3FC3]  }
0x95: {  	s6 =	sld [smem:$0x3FC2]  }
0x96: {  	s9 =	simm.s32 $0xA;
	s10 =	simm.s32 $0x10;
	s7 =	sld [smem:$0x3FC1]  }
0x97: {  	[smem:s10], [sflag:s9] =	dma.local [hbm:s8], $0x1  }
0x98: {  	_ =	swait.eq [sflag:s9], $0x1  }
0x99: {  	s29 =	sld [smem:$0x10]  }
0x9a: {  	s30 =	sld [smem:$0x11]  }
0x9b: {  	s11 =	sld [smem:$0x12]  }
0x9c: {  	s12 =	sld [smem:$0x13];
	[sflag:s9] =	ssyncset.done $0x0  }
0x9d: {  	s13 =	sld [smem:$0x14];
	[sflag:s9] =	ssyncadd.s32 $0xFFFFFFFF  }
0x9e: {  	s31 =	sld [smem:$0x15];
	(tm) =	ssettm $0x1  }
0x9f: {  	s14 =	sld [smem:$0x3FFB];
	_ =	sdelay $0x3  }
0xa0: {  	_ =	strace s14  }
0xa1: {  	s14 =	sld [smem:$0x3FFC];
	_ =	sdelay $0x3  }
0xa2: {  	_ =	strace s14  }
0xa3: {  	s14 =	sld [smem:$0x3FFD];
	_ =	sdelay $0x3  }
0xa4: {  	_ =	strace s14  }
0xa5: {  	_ =	strace $0x8FFFFFFF  }
0xa6: {  	s19 =	sld [smem:$0x3FDB];
	_ =	sdelay $0x1  }
0xa7: {  	s15 =	simm.s32 $_scs_section_size  }
0xa8: {  	s16 =	simm.s32 $_size__tile_overlayer_lowered;
	s17 =	simm.s32 $_tile_overlayer_lowered  }
0xa9: {  	s22 =	simm.s32 $0x1BFF;
	s21 =	sshll.u32 s17, $0x1;
	s14 =	sadd.s32 s15, s19  }
0xaa: {  	s18 =	simm.s32 $0x0;
	s20 =	sshll.u32 s16, $0x1;
	s16 =	sadd.s32 s21, s14  }
0xab: {  	[timem:s18], [sflag:s22] =	dma.local [hbm:s16], s20  }
0xac: {  	_ =	swait.ge [sflag:s22], s20  }
0xad: {  	s15 =	ssub.s32 $0x0, s20;
	[sflag:s22] =	ssyncset.done $0x0  }
0xae: {  	[sflag:s22] =	ssyncadd.s32 s15;
	_ =	sdelay $0x1  }
0xaf: {  	s23 =	simm.s32 $0x1B8B  }
0xb0: {  	_ =	swait.ge [sflag:s23], $0x1  }
0xb1: {  	[sflag:s23] =	ssyncset.done $0x0  }
0xb2: {  	s25 =	simm.s32 $0x1B8E;
	s24 =	sld [smem:$0x3FFE];
	[sflag:s23] =	ssyncadd.s32 $0xFFFFFFFF  }
0xb3: {  	s26 =	simm.s32 $execute0_lowered;
	[smem:$0x3FD2] =	sst s25  }
0xb4: {  	s16 =	sshll.u32 s26, $0x1;
	_ =	strace $0x80000046;
	[dreg:$0x1] =	wrdreg $0xFFFFFFFF  }
0xb5: {  	s28 =	simm.s32 $_size_execute0_lowered;
	s14 =	sadd.s32 s14, s16;
	[dreg:$0x0] =	wrdreg $0x0  }
0xb6: {  	s16 =	sshll.u32 s28, $0x1;
	[dreg:$0x2] =	wrdreg s14  }
0xb7: {  	[dreg:$0x3] =	wrdreg s16  }
0xb8: {  	[dreg:$0x4] =	wrdreg $0xC0  }
0xb9: {  	_ =	task [dreg:s18], $0x5FFFF  }
0xba: {  	[dreg:$0x1] =	wrdreg $0xFFFFFFFF  }
0xbb: {  	[dreg:$0x0] =	wrdreg $0x60  }
0xbc: {  	[dreg:$0x2] =	wrdreg s24  }
0xbd: {  	[dreg:$0x3] =	wrdreg s12  }
0xbe: {  	[dreg:$0x4] =	wrdreg s29  }
0xbf: {  	[dreg:$0x5] =	wrdreg s2  }
0xc0: {  	[dreg:$0x6] =	wrdreg s3  }
0xc1: {  	[dreg:$0x7] =	wrdreg s4  }
0xc2: {  	[dreg:$0x8] =	wrdreg s5  }
0xc3: {  	[dreg:$0x9] =	wrdreg s6  }
0xc4: {  	[dreg:$0xa] =	wrdreg s7  }
0xc5: {  	[dreg:$0xb] =	wrdreg s11  }
0xc6: {  	[dreg:$0xc] =	wrdreg s30  }
0xc7: {  	[dreg:$0xd] =	wrdreg s31  }
0xc8: {  	[dreg:$0xe] =	wrdreg s13  }
0xc9: {  	[dreg:$0xf] =	wrdreg $0x9  }
0xca: {  	_ =	task.clear_ibuf [dreg:s18], $0x10FFFF;
	_ =	strace $0x90000046  }
0xcb: {  	s29 =	simm.s32 $0x9;
	_ =	strace $0x80000048  }
0xcc: {  	_ =	swait.ge [sflag:s29], $0x1  }
0xcd: {  	[sflag:s29] =	ssyncadd.s32 $0xFFFFFFFF  }
0xce: {  	_ =	strace $0x90000048  }
0xcf: {  	_ =	sfence  }
0xd0: {  	s30 =	sld [smem:$0x0];
	_ =	sdelay $0x2  }
0xd1: {  	s31 =	sshll.u32 s1, $0xD;
	s1 =	sshrl.u32 s1, $0x2  }
0xd2: {  	s3 =	sand.u32 $0x4000, s31;
	s1 =	sadd.s32 s1, s30  }
0xd3: {  	s0 =	sor.u32 s3, s0;
	s1 =	sshll.u32 s1, $0x11  }
0xd4: {  	s0 =	sor.u32 s1, s0  }
0xd5: {  	s0 =	sadd.s32 $0x8F2B, s0  }
0xd6: {  	[sflag:s0] =	ssyncadd.remote.s32 $0x1  }
0xd7: {  	_ =	sfence.sel $0xFFFF  }
0xd8: {  	[dreg:$0x0] =	wrdreg $0xFFFFFFFF;
	(pc) =	sbr.abs _section_cstart, $3  }
0xd9: {  	[dreg:$0x1] =	wrdreg $0xFFFFFFFF  }
0xda: {  	_ =	task.clear_ibuf [dreg:s18], $0x2FFFF;
	_ =	strace $0x9FFFFFFF  }
0xdb: {  	(tm) =	ssettm $0x7FFFFFFF  }
tec
execute0_lowered:
.L_overlay_start_1:
0x0: {  	(tag) =	ssettag $0x1  }
0x1: {  	s11 =	rddreg [dreg:$0x0]  }
0x2: {  	s0 =	rddreg [dreg:$0x1]  }
0x3: {  	s1 =	rddreg [dreg:$0x2]  }
0x4: {  	s5 =	rddreg [dreg:$0x3]  }
0x5: {  	s6 =	rddreg [dreg:$0x4]  }
0x6: {  	s7 =	rddreg [dreg:$0x5]  }
0x7: {  	s8 =	rddreg [dreg:$0x6]  }
0x8: {  	s9 =	rddreg [dreg:$0x7]  }
0x9: {  	s10 =	rddreg [dreg:$0x8]  }
0xa: {  	s12 =	rddreg [dreg:$0x9]  }
0xb: {  	s13 =	rddreg [dreg:$0xa]  }
0xc: {  	s3 =	srdreg.scid;
	s2 =	stileid.u32  }
0xd: {  	s14 =	rddreg [dreg:$0xb];
	s3 =	sand.u32 $0x1, s3;
	s16 =	sshll.u32 s2, $0x1  }
0xe: {  	s15 =	rddreg [dreg:$0xc];
	s4 =	simm.s32 $0x0;
	s16 =	sor.u32 s3, s16  }
0xf: {  	s29 =	simm.s32 $0x100;
	[smem:$0x7FF] =	sst s4;
	s17 =	sshll.u32 s16, $0x6  }
0x10: {  	_ =	strace $0x80000047;
	[dreg:$0x1a] =	wrdreg s29;
	s5 =	sadd.s32 s5, s17  }
0x11: {  	s2 =	sadd.s32 s6, s17;
	[dreg:$0xe] =	wrdreg s5  }
0x12: {  	s6 =	sadd.s32 s7, s17;
	[dreg:$0xf] =	wrdreg s2  }
0x13: {  	s7 =	sadd.s32 s8, s17;
	[dreg:$0x10] =	wrdreg s6  }
0x14: {  	s8 =	sadd.s32 s9, s17;
	[dreg:$0x11] =	wrdreg s7  }
0x15: {  	s22 =	sshll.u32 s16, $0xB;
	s18 =	sadd.s32 s10, s17;
	[dreg:$0x12] =	wrdreg s8  }
0x16: {  	s24 =	sadd.s32 s14, s22;
	[dreg:$0x13] =	wrdreg s18  }
0x17: {  	s26 =	sadd.s32 s15, s22;
	[dreg:$0x17] =	wrdreg s24  }
0x18: {  	s10 =	simm.s32 $0x380;
	[dreg:$0x18] =	wrdreg s26  }
0x19: {  	s14 =	simm.s32 $0x500;
	[smem:$0x7F3] =	sst s10  }
0x1a: {  	s15 =	simm.s32 $0x580;
	[smem:$0x7F6] =	sst s14  }
0x1b: {  	s9 =	sshll.u32 s16, $0xC;
	s16 =	simm.s32 $0x680;
	[smem:$0x7F7] =	sst s15  }
0x1c: {  	s17 =	simm.s32 $0x700;
	[smem:$0x7F8] =	sst s16  }
0x1d: {  	s25 =	sadd.s32 s22, s11;
	s22 =	simm.s32 $0x900;
	[smem:$0x7F9] =	sst s17  }
0x1e: {  	s19 =	sadd.s32 s12, s9;
	[smem:$0x7FD] =	sst s22  }
0x1f: {  	s21 =	sadd.s32 s13, s9;
	[dreg:$0x14] =	wrdreg s19  }
0x20: {  	s28 =	sadd.s32 $0x21600, s25;
	[dreg:$0x15] =	wrdreg s21  }
0x21: {  	s2 =	simm.s32 $0x180;
	[dreg:$0x19] =	wrdreg s28  }
0x22: {  	s6 =	simm.s32 $0x280;
	[dreg:$0x1b] =	wrdreg s2  }
0x23: {  	s7 =	simm.s32 $0xAC00;
	[dreg:$0x1c] =	wrdreg s6  }
0x24: {  	s8 =	simm.s32 $0x300;
	[dreg:$0x1d] =	wrdreg s7  }
0x25: {  	s20 =	sadd.s32 s9, s11;
	s9 =	simm.s32 $0xCC00;
	[dreg:$0x1e] =	wrdreg s8  }
0x26: {  	s12 =	simm.s32 $0xEC00;
	[dreg:$0x1f] =	wrdreg s9  }
0x27: {  	s13 =	simm.s32 $0x480;
	[smem:$0x7F4] =	sst s12  }
0x28: {  	s18 =	simm.s32 $0x780;
	[smem:$0x7F5] =	sst s13  }
0x29: {  	[smem:$0x7FA] =	sst s18  }
0x2a: {  	s23 =	sadd.s32 $0x1600, s20;
	s21 =	rddreg [dreg:$0xe]  }
0x2b: {  	s19 =	simm.s32 $0x880;
	[dreg:$0x16] =	wrdreg s23  }
0x2c: {  	s20 =	simm.s32 $0x15C00;
	[smem:$0x7FC] =	sst s19  }
0x2d: {  	s5 =	simm.s32 $0x3;
	[smem:$0x7FB] =	sst s20  }
0x2e: {  	[tilespmem:s4], [sflag:$0x3] =	stream.linear.gather [hbm4b:s21+s4], $0x200, $0x38;
	[tilespmem:$0x18C00] =	vst v63  }
0x2f: {  	_ =	swait.ge [sflag:s5], $0x200  }
0x30: {  	[sflag:s5] =	ssyncset.done $0x0  }
0x31: {  	s6 =	simm.s32 $0x200;
	s23 =	rddreg [dreg:$0xf];
	[sflag:s5] =	ssyncadd.s32 $0xFFFFFE00  }
0x32: {  	[tilespmem:s6], [sflag:$0x3] =	stream.linear.gather [hbm4b:s23+s4], $0x200, $0x38;
	[tilespmem:$0x18C00] =	vst v63  }
0x33: {  	_ =	swait.ge [sflag:s5], $0x200  }
0x34: {  	[sflag:s5] =	ssyncset.done $0x0  }
0x35: {  	s7 =	simm.s32 $0x400;
	s24 =	rddreg [dreg:$0x10];
	[sflag:s5] =	ssyncadd.s32 $0xFFFFFE00  }
0x36: {  	[tilespmem:s7], [sflag:$0x3] =	stream.linear.gather [hbm4b:s24+s4], $0x200, $0x38;
	[tilespmem:$0x18C00] =	vst v63  }
0x37: {  	_ =	swait.ge [sflag:s5], $0x200  }
0x38: {  	[sflag:s5] =	ssyncset.done $0x0  }
0x39: {  	s8 =	simm.s32 $0x600;
	s25 =	rddreg [dreg:$0x11];
	[sflag:s5] =	ssyncadd.s32 $0xFFFFFE00  }
0x3a: {  	[tilespmem:s8], [sflag:$0x3] =	stream.linear.gather [hbm4b:s25+s4], $0x200, $0x38;
	[tilespmem:$0x18C00] =	vst v63  }
0x3b: {  	_ =	swait.ge [sflag:s5], $0x200  }
0x3c: {  	[sflag:s5] =	ssyncset.done $0x0  }
0x3d: {  	s9 =	simm.s32 $0x800;
	s26 =	rddreg [dreg:$0x12];
	[sflag:s5] =	ssyncadd.s32 $0xFFFFFE00  }
0x3e: {  	[tilespmem:s9], [sflag:$0x3] =	stream.linear.gather [hbm4b:s26+s4], $0x200, $0x38;
	[tilespmem:$0x18C00] =	vst v63  }
0x3f: {  	_ =	swait.ge [sflag:s5], $0x200  }
0x40: {  	[sflag:s5] =	ssyncset.done $0x0  }
0x41: {  	s10 =	simm.s32 $0xA00;
	s28 =	rddreg [dreg:$0x13];
	[sflag:s5] =	ssyncadd.s32 $0xFFFFFE00  }
0x42: {  	[tilespmem:s10], [sflag:$0x3] =	stream.linear.gather [hbm4b:s28+s4], $0x200, $0x38;
	[tilespmem:$0x18C00] =	vst v63  }
0x43: {  	_ =	swait.ge [sflag:s5], $0x200  }
0x44: {  	s11 =	sadd.s32 $0xF43C00, s11;
	[sflag:s5] =	ssyncset.done $0x0  }
0x45: {  	s12 =	simm.s32 $0x80;
	s13 =	simm.s32 $0xC00;
	[sflag:s5] =	ssyncadd.s32 $0xFFFFFE00  }
0x46: {  	[tilespmem:s13], [sflag:$0x1] =	stream.indirect.gather [hbm4b:s11+s12], $0x40, s4, s12, $0xb8;
	[tilespmem:$0x18C00] =	vst v63  }
0x47: {  	s14 =	simm.s32 $0x2C00  }
0x48: {  	[tilespmem:s14], [sflag:$0x1] =	stream.indirect.gather [hbm4b:s11+s12], $0x40, s12, s12, $0xb8;
	[tilespmem:$0x18C00] =	vst v63  }
0x49: {  	s15 =	simm.s32 $0x4C00;
	s29 =	rddreg [dreg:$0x1a]  }
0x4a: {  	[tilespmem:s15], [sflag:$0x1] =	stream.indirect.gather [hbm4b:s11+s12], $0x40, s29, s12, $0xb8;
	[tilespmem:$0x18C00] =	vst v63  }
0x4b: {  	s16 =	simm.s32 $0x6C00;
	s17 =	simm.s32 $0x1;
	s18 =	rddreg [dreg:$0x1b]  }
0x4c: {  	[tilespmem:s16], [sflag:$0x1] =	stream.indirect.gather [hbm4b:s11+s12], $0x40, s18, s12, $0xb8;
	[tilespmem:$0x18C00] =	vst v63  }
0x4d: {  	_ =	swait.ge [sflag:s17], $0x2000  }
0x4e: {  	[sflag:s17] =	ssyncset.done $0x0  }
0x4f: {  	[sflag:s17] =	ssyncadd.s32 $0xFFFFE000  }
0x50: {  	_ =	swait.ge [sflag:s17], $0x2000  }
0x51: {  	[sflag:s17] =	ssyncset.done $0x0  }
0x52: {  	[sflag:s17] =	ssyncadd.s32 $0xFFFFE000  }
0x53: {  	_ =	swait.ge [sflag:s17], $0x2000  }
0x54: {  	[sflag:s17] =	ssyncset.done $0x0  }
0x55: {  	[sflag:s17] =	ssyncadd.s32 $0xFFFFE000  }
0x56: {  	_ =	swait.ge [sflag:s17], $0x2000  }
0x57: {  	s19 =	sld [smem:$0x7F3]  }
0x58: {  	s20 =	rddreg [dreg:$0x1e]  }
0x59: {  	[sflag:s17] =	ssyncset.done $0x0;
	s21 =	rddreg [dreg:$0x1c]  }
0x5a: {  	s18 =	simm.s32 $0x8C00;
	s22 =	rddreg [dreg:$0x1d];
	[sflag:s17] =	ssyncadd.s32 $0xFFFFE000  }
0x5b: {  	[tilespmem:s18], [sflag:$0x1] =	stream.indirect.gather [hbm4b:s11+s12], $0x40, s6, s12, $0xb8;
	[tilespmem:$0x18C00] =	vst v63  }
0x5c: {  	s23 =	rddreg [dreg:$0x1f]  }
0x5d: {  	[tilespmem:s22], [sflag:$0x1] =	stream.indirect.gather [hbm4b:s11+s12], $0x40, s21, s12, $0xb8;
	[tilespmem:$0x18C00] =	vst v63  }
0x5e: {  	s2 =	sld [smem:$0x7F4]  }
0x5f: {  	[tilespmem:s23], [sflag:$0x1] =	stream.indirect.gather [hbm4b:s11+s12], $0x40, s20, s12, $0xb8;
	[tilespmem:$0x18C00] =	vst v63  }
0x60: {  	_ = 	snop  }
0x61: {  	[tilespmem:s2], [sflag:$0x1] =	stream.indirect.gather [hbm4b:s11+s12], $0x40, s19, s12, $0xb8;
	[tilespmem:$0x18C00] =	vst v63  }
0x62: {  	s22 =	rddreg [dreg:$0x14]  }
0x63: {  	[hbm4b:s22+s4] =	stream.linear.scatter [tilespmem:s13], [sflag:$0x2], $0x8000, $0x38;
	[tilespmem:$0x18C00] =	vst v63  }
0x64: {  	_ =	swait.ge [sflag:s17], $0x2000  }
0x65: {  	[sflag:s17] =	ssyncset.done $0x0  }
0x66: {  	[sflag:s17] =	ssyncadd.s32 $0xFFFFE000  }
0x67: {  	_ =	swait.ge [sflag:s17], $0x2000  }
0x68: {  	[sflag:s17] =	ssyncset.done $0x0  }
0x69: {  	[sflag:s17] =	ssyncadd.s32 $0xFFFFE000  }
0x6a: {  	_ =	swait.ge [sflag:s17], $0x2000  }
0x6b: {  	[sflag:s17] =	ssyncset.done $0x0  }
0x6c: {  	[sflag:s17] =	ssyncadd.s32 $0xFFFFE000  }
0x6d: {  	_ =	swait.ge [sflag:s17], $0x2000  }
0x6e: {  	[sflag:s17] =	ssyncset.done $0x0  }
0x6f: {  	s19 =	simm.s32 $0x2;
	[sflag:s17] =	ssyncadd.s32 $0xFFFFE000  }
0x70: {  	_ =	swait.ge [sflag:s19], $0x8000  }
0x71: {  	[sflag:s19] =	ssyncset.done $0x0  }
0x72: {  	s23 =	sld [smem:$0x7F5];
	[sflag:s19] =	ssyncadd.s32 $0xFFFF8000  }
0x73: {  	[tilespmem:s13], [sflag:$0x1] =	stream.indirect.gather [hbm4b:s11+s12], $0x40, s7, s12, $0xb8;
	[tilespmem:$0x18C00] =	vst v63  }
0x74: {  	s24 =	sld [smem:$0x7F6]  }
0x75: {  	[tilespmem:s14], [sflag:$0x1] =	stream.indirect.gather [hbm4b:s11+s12], $0x40, s23, s12, $0xb8;
	[tilespmem:$0x18C00] =	vst v63  }
0x76: {  	s25 =	sld [smem:$0x7F7]  }
0x77: {  	[tilespmem:s15], [sflag:$0x1] =	stream.indirect.gather [hbm4b:s11+s12], $0x40, s24, s12, $0xb8;
	[tilespmem:$0x18C00] =	vst v63  }
0x78: {  	_ = 	snop  }
0x79: {  	[tilespmem:s16], [sflag:$0x1] =	stream.indirect.gather [hbm4b:s11+s12], $0x40, s25, s12, $0xb8;
	[tilespmem:$0x18C00] =	vst v63  }
0x7a: {  	s26 =	rddreg [dreg:$0x15]  }
0x7b: {  	[hbm4b:s26+s4] =	stream.linear.scatter [tilespmem:s18], [sflag:$0x2], $0x8000, $0x38;
	[tilespmem:$0x18C00] =	vst v63  }
0x7c: {  	_ =	swait.ge [sflag:s17], $0x2000  }
0x7d: {  	[sflag:s17] =	ssyncset.done $0x0  }
0x7e: {  	[sflag:s17] =	ssyncadd.s32 $0xFFFFE000  }
0x7f: {  	_ =	swait.ge [sflag:s17], $0x2000  }
0x80: {  	[sflag:s17] =	ssyncset.done $0x0  }
0x81: {  	[sflag:s17] =	ssyncadd.s32 $0xFFFFE000  }
0x82: {  	_ =	swait.ge [sflag:s17], $0x2000  }
0x83: {  	[sflag:s17] =	ssyncset.done $0x0  }
0x84: {  	[sflag:s17] =	ssyncadd.s32 $0xFFFFE000  }
0x85: {  	_ =	swait.ge [sflag:s17], $0x2000  }
0x86: {  	[sflag:s17] =	ssyncset.done $0x0  }
0x87: {  	[sflag:s17] =	ssyncadd.s32 $0xFFFFE000  }
0x88: {  	_ =	swait.ge [sflag:s19], $0x8000  }
0x89: {  	[sflag:s19] =	ssyncset.done $0x0  }
0x8a: {  	s20 =	simm.s32 $0x10C00;
	s28 =	sld [smem:$0x7F8];
	[sflag:s19] =	ssyncadd.s32 $0xFFFF8000  }
0x8b: {  	[tilespmem:s20], [sflag:$0x1] =	stream.indirect.gather [hbm4b:s0+s12], $0x20, s8, s12, $0xb8;
	[tilespmem:$0x18C00] =	vst v63  }
0x8c: {  	s21 =	simm.s32 $0x11C00;
	s29 =	sld [smem:$0x7F9]  }
0x8d: {  	[tilespmem:s21], [sflag:$0x1] =	stream.indirect.gather [hbm4b:s0+s12], $0x20, s28, s12, $0xb8;
	[tilespmem:$0x18C00] =	vst v63  }
0x8e: {  	s22 =	simm.s32 $0x12C00;
	s24 =	sld [smem:$0x7FA]  }
0x8f: {  	[tilespmem:s22], [sflag:$0x1] =	stream.indirect.gather [hbm4b:s0+s12], $0x20, s29, s12, $0xb8;
	[tilespmem:$0x18C00] =	vst v63  }
0x90: {  	s23 =	simm.s32 $0x13C00  }
0x91: {  	[tilespmem:s23], [sflag:$0x1] =	stream.indirect.gather [hbm4b:s0+s12], $0x20, s24, s12, $0xb8;
	[tilespmem:$0x18C00] =	vst v63  }
0x92: {  	s25 =	rddreg [dreg:$0x16]  }
0x93: {  	[hbm4b:s25+s4] =	stream.linear.scatter [tilespmem:s13], [sflag:$0x2], $0x8000, $0x38;
	[tilespmem:$0x18C00] =	vst v63  }
0x94: {  	_ =	swait.ge [sflag:s17], $0x1000  }
0x95: {  	[sflag:s17] =	ssyncset.done $0x0  }
0x96: {  	[sflag:s17] =	ssyncadd.s32 $0xFFFFF000  }
0x97: {  	_ =	swait.ge [sflag:s17], $0x1000  }
0x98: {  	[sflag:s17] =	ssyncset.done $0x0  }
0x99: {  	[sflag:s17] =	ssyncadd.s32 $0xFFFFF000  }
0x9a: {  	_ =	swait.ge [sflag:s17], $0x1000  }
0x9b: {  	[sflag:s17] =	ssyncset.done $0x0  }
0x9c: {  	[sflag:s17] =	ssyncadd.s32 $0xFFFFF000  }
0x9d: {  	_ =	swait.ge [sflag:s17], $0x1000  }
0x9e: {  	[sflag:s17] =	ssyncset.done $0x0  }
0x9f: {  	[sflag:s17] =	ssyncadd.s32 $0xFFFFF000  }
0xa0: {  	_ =	swait.ge [sflag:s19], $0x8000  }
0xa1: {  	[sflag:s19] =	ssyncset.done $0x0;
	s2 =	sld [smem:$0x7FB]  }
0xa2: {  	s24 =	simm.s32 $0x14C00;
	s26 =	sld [smem:$0x7FC];
	[sflag:s19] =	ssyncadd.s32 $0xFFFF8000  }
0xa3: {  	[tilespmem:s24], [sflag:$0x1] =	stream.indirect.gather [hbm4b:s1+s12], $0x20, s9, s12, $0xb8;
	[tilespmem:$0x18C00] =	vst v63  }
0xa4: {  	s28 =	sld [smem:$0x7FD]  }
0xa5: {  	[tilespmem:s2], [sflag:$0x1] =	stream.indirect.gather [hbm4b:s1+s12], $0x20, s26, s12, $0xb8;
	[tilespmem:$0x18C00] =	vst v63  }
0xa6: {  	s25 =	simm.s32 $0x16C00  }
0xa7: {  	[tilespmem:s25], [sflag:$0x1] =	stream.indirect.gather [hbm4b:s1+s12], $0x20, s28, s12, $0xb8;
	[tilespmem:$0x18C00] =	vst v63  }
0xa8: {  	s26 =	simm.s32 $0x980;
	s28 =	simm.s32 $0x17C00  }
0xa9: {  	[tilespmem:s28], [sflag:$0x1] =	stream.indirect.gather [hbm4b:s1+s12], $0x20, s26, s12, $0xb8;
	[tilespmem:$0x18C00] =	vst v63  }
0xaa: {  	s29 =	rddreg [dreg:$0x17]  }
0xab: {  	[hbm4b:s29+s4] =	stream.linear.scatter [tilespmem:s20], [sflag:$0x2], $0x4000, $0x38;
	[tilespmem:$0x18C00] =	vst v63  }
0xac: {  	_ =	swait.ge [sflag:s17], $0x1000  }
0xad: {  	[sflag:s17] =	ssyncset.done $0x0  }
0xae: {  	[sflag:s17] =	ssyncadd.s32 $0xFFFFF000  }
0xaf: {  	_ =	swait.ge [sflag:s17], $0x1000  }
0xb0: {  	[sflag:s17] =	ssyncset.done $0x0  }
0xb1: {  	[sflag:s17] =	ssyncadd.s32 $0xFFFFF000  }
0xb2: {  	_ =	swait.ge [sflag:s17], $0x1000  }
0xb3: {  	[sflag:s17] =	ssyncset.done $0x0  }
0xb4: {  	[sflag:s17] =	ssyncadd.s32 $0xFFFFF000  }
0xb5: {  	_ =	swait.ge [sflag:s17], $0x1000  }
0xb6: {  	[sflag:s17] =	ssyncset.done $0x0  }
0xb7: {  	[sflag:s17] =	ssyncadd.s32 $0xFFFFF000  }
0xb8: {  	_ =	swait.ge [sflag:s19], $0x4000  }
0xb9: {  	[sflag:s19] =	ssyncset.done $0x0  }
0xba: {  	[sflag:s19] =	ssyncadd.s32 $0xFFFFC000  }
0xbb: {  	[tilespmem:s20], [sflag:$0x1] =	stream.indirect.gather [hbm4b:s1+s12], $0x20, s10, s12, $0xb8;
	[tilespmem:$0x18C00] =	vst v63  }
0xbc: {  	s25 =	simm.s32 $0xA80  }
0xbd: {  	[tilespmem:s21], [sflag:$0x1] =	stream.indirect.gather [hbm4b:s1+s12], $0x20, s25, s12, $0xb8;
	[tilespmem:$0x18C00] =	vst v63  }
0xbe: {  	s30 =	simm.s32 $0xB00  }
0xbf: {  	[tilespmem:s22], [sflag:$0x1] =	stream.indirect.gather [hbm4b:s1+s12], $0x20, s30, s12, $0xb8;
	[tilespmem:$0x18C00] =	vst v63  }
0xc0: {  	s31 =	simm.s32 $0xB80  }
0xc1: {  	[tilespmem:s23], [sflag:$0x1] =	stream.indirect.gather [hbm4b:s1+s12], $0x20, s31, s12, $0xb8;
	[tilespmem:$0x18C00] =	vst v63  }
0xc2: {  	s26 =	rddreg [dreg:$0x18]  }
0xc3: {  	[hbm4b:s26+s4] =	stream.linear.scatter [tilespmem:s24], [sflag:$0x2], $0x4000, $0x38;
	[tilespmem:$0x18C00] =	vst v63  }
0xc4: {  	_ =	swait.ge [sflag:s17], $0x1000  }
0xc5: {  	[sflag:s17] =	ssyncset.done $0x0  }
0xc6: {  	[sflag:s17] =	ssyncadd.s32 $0xFFFFF000  }
0xc7: {  	_ =	swait.ge [sflag:s17], $0x1000  }
0xc8: {  	[sflag:s17] =	ssyncset.done $0x0  }
0xc9: {  	[sflag:s17] =	ssyncadd.s32 $0xFFFFF000  }
0xca: {  	s28 =	ssub.s32 $0x2, s3;
	_ =	swait.ge [sflag:s17], $0x1000  }
0xcb: {  	s3 =	sshrl.u32 s28, $0x1;
	[sflag:s17] =	ssyncset.done $0x0  }
0xcc: {  	s2 =	ssub.s32 s28, s3;
	[sflag:s17] =	ssyncadd.s32 $0xFFFFF000  }
0xcd: {  	s2 =	smax.u32 s2, $0x1;
	_ =	swait.ge [sflag:s17], $0x1000  }
0xce: {  	p0 =	sne.s32 s2, $0x1;
	[sflag:s17] =	ssyncset.done $0x0  }
.Ltmp0:
0xcf: {  	[sflag:s17] =	ssyncadd.s32 $0xFFFFF000;
	(pc) =	sbr.rel @!p0 .LBB2_2-.Ltmp0, $4  }
0xd0: {  	_ =	swait.ge [sflag:s19], $0x4000  }
0xd1: {  	[sflag:s19] =	ssyncset.done $0x0  }
0xd2: {  	s3 =	sadd.s32 $0xFFFFFFFF, s2;
	s29 =	rddreg [dreg:$0x19];
	[sflag:s19] =	ssyncadd.s32 $0xFFFFC000  }
0xd3: {  	[hbm4b:s29+s4] =	stream.linear.scatter [tilespmem:s20], [sflag:$0x2], $0x4000, $0x38;
	[tilespmem:$0x18C00] =	vst v63  }
.LBB2_1:
0xd4: {  	_ =	swait.ge [sflag:s19], $0x4000  }
0xd5: {  	[sflag:s19] =	ssyncset.done $0x0  }
0xd6: {  	s2 =	rddreg [dreg:$0xe];
	[sflag:s19] =	ssyncadd.s32 $0xFFFFC000  }
0xd7: {  	[tilespmem:s4], [sflag:$0x3] =	stream.linear.gather [hbm4b:s2+s4], $0x200, $0x38;
	[tilespmem:$0x18C00] =	vst v63  }
0xd8: {  	_ =	swait.ge [sflag:s5], $0x200  }
0xd9: {  	[sflag:s5] =	ssyncset.done $0x0  }
0xda: {  	s25 =	rddreg [dreg:$0xf];
	[sflag:s5] =	ssyncadd.s32 $0xFFFFFE00  }
0xdb: {  	[tilespmem:s6], [sflag:$0x3] =	stream.linear.gather [hbm4b:s25+s4], $0x200, $0x38;
	[tilespmem:$0x18C00] =	vst v63  }
0xdc: {  	_ =	swait.ge [sflag:s5], $0x200  }
0xdd: {  	[sflag:s5] =	ssyncset.done $0x0  }
0xde: {  	s26 =	rddreg [dreg:$0x10];
	[sflag:s5] =	ssyncadd.s32 $0xFFFFFE00  }
0xdf: {  	[tilespmem:s7], [sflag:$0x3] =	stream.linear.gather [hbm4b:s26+s4], $0x200, $0x38;
	[tilespmem:$0x18C00] =	vst v63  }
0xe0: {  	_ =	swait.ge [sflag:s5], $0x200  }
0xe1: {  	[sflag:s5] =	ssyncset.done $0x0  }
0xe2: {  	s28 =	rddreg [dreg:$0x11];
	[sflag:s5] =	ssyncadd.s32 $0xFFFFFE00  }
0xe3: {  	[tilespmem:s8], [sflag:$0x3] =	stream.linear.gather [hbm4b:s28+s4], $0x200, $0x38;
	[tilespmem:$0x18C00] =	vst v63  }
0xe4: {  	_ =	swait.ge [sflag:s5], $0x200  }
0xe5: {  	[sflag:s5] =	ssyncset.done $0x0  }
0xe6: {  	s29 =	rddreg [dreg:$0x12];
	[sflag:s5] =	ssyncadd.s32 $0xFFFFFE00  }
0xe7: {  	[tilespmem:s9], [sflag:$0x3] =	stream.linear.gather [hbm4b:s29+s4], $0x200, $0x38;
	[tilespmem:$0x18C00] =	vst v63  }
0xe8: {  	_ =	swait.ge [sflag:s5], $0x200  }
0xe9: {  	[sflag:s5] =	ssyncset.done $0x0  }
0xea: {  	s25 =	rddreg [dreg:$0x13];
	[sflag:s5] =	ssyncadd.s32 $0xFFFFFE00  }
0xeb: {  	[tilespmem:s10], [sflag:$0x3] =	stream.linear.gather [hbm4b:s25+s4], $0x200, $0x38;
	[tilespmem:$0x18C00] =	vst v63  }
0xec: {  	_ =	swait.ge [sflag:s5], $0x200  }
0xed: {  	[sflag:s5] =	ssyncset.done $0x0  }
0xee: {  	[sflag:s5] =	ssyncadd.s32 $0xFFFFFE00  }
0xef: {  	[tilespmem:s13], [sflag:$0x1] =	stream.indirect.gather [hbm4b:s11+s12], $0x40, s4, s12, $0xb8;
	[tilespmem:$0x18C00] =	vst v63  }
0xf0: {  	_ = 	snop  }
0xf1: {  	[tilespmem:s14], [sflag:$0x1] =	stream.indirect.gather [hbm4b:s11+s12], $0x40, s12, s12, $0xb8;
	[tilespmem:$0x18C00] =	vst v63  }
0xf2: {  	s26 =	rddreg [dreg:$0x1a]  }
0xf3: {  	[tilespmem:s15], [sflag:$0x1] =	stream.indirect.gather [hbm4b:s11+s12], $0x40, s26, s12, $0xb8;
	[tilespmem:$0x18C00] =	vst v63  }
0xf4: {  	s25 =	rddreg [dreg:$0x1b]  }
0xf5: {  	[tilespmem:s16], [sflag:$0x1] =	stream.indirect.gather [hbm4b:s11+s12], $0x40, s25, s12, $0xb8;
	[tilespmem:$0x18C00] =	vst v63  }
0xf6: {  	_ =	swait.ge [sflag:s17], $0x2000  }
0xf7: {  	[sflag:s17] =	ssyncset.done $0x0  }
0xf8: {  	[sflag:s17] =	ssyncadd.s32 $0xFFFFE000  }
0xf9: {  	_ =	swait.ge [sflag:s17], $0x2000  }
0xfa: {  	[sflag:s17] =	ssyncset.done $0x0  }
0xfb: {  	[sflag:s17] =	ssyncadd.s32 $0xFFFFE000  }
0xfc: {  	_ =	swait.ge [sflag:s17], $0x2000  }
0xfd: {  	[sflag:s17] =	ssyncset.done $0x0  }
0xfe: {  	[sflag:s17] =	ssyncadd.s32 $0xFFFFE000  }
0xff: {  	_ =	swait.ge [sflag:s17], $0x2000  }
0x100: {  	s2 =	sld [smem:$0x7F3]  }
0x101: {  	s25 =	rddreg [dreg:$0x1e]  }
0x102: {  	[sflag:s17] =	ssyncset.done $0x0;
	s26 =	rddreg [dreg:$0x1c]  }
0x103: {  	s28 =	rddreg [dreg:$0x1d];
	[sflag:s17] =	ssyncadd.s32 $0xFFFFE000  }
0x104: {  	[tilespmem:s18], [sflag:$0x1] =	stream.indirect.gather [hbm4b:s11+s12], $0x40, s6, s12, $0xb8;
	[tilespmem:$0x18C00] =	vst v63  }
0x105: {  	s29 =	rddreg [dreg:$0x1f]  }
0x106: {  	[tilespmem:s28], [sflag:$0x1] =	stream.indirect.gather [hbm4b:s11+s12], $0x40, s26, s12, $0xb8;
	[tilespmem:$0x18C00] =	vst v63  }
0x107: {  	s28 =	sld [smem:$0x7F4]  }
0x108: {  	[tilespmem:s29], [sflag:$0x1] =	stream.indirect.gather [hbm4b:s11+s12], $0x40, s25, s12, $0xb8;
	[tilespmem:$0x18C00] =	vst v63  }
0x109: {  	_ = 	snop  }
0x10a: {  	[tilespmem:s28], [sflag:$0x1] =	stream.indirect.gather [hbm4b:s11+s12], $0x40, s2, s12, $0xb8;
	[tilespmem:$0x18C00] =	vst v63  }
0x10b: {  	s29 =	rddreg [dreg:$0x14]  }
0x10c: {  	[hbm4b:s29+s4] =	stream.linear.scatter [tilespmem:s13], [sflag:$0x2], $0x8000, $0x38;
	[tilespmem:$0x18C00] =	vst v63  }
0x10d: {  	_ =	swait.ge [sflag:s17], $0x2000  }
0x10e: {  	[sflag:s17] =	ssyncset.done $0x0  }
0x10f: {  	[sflag:s17] =	ssyncadd.s32 $0xFFFFE000  }
0x110: {  	_ =	swait.ge [sflag:s17], $0x2000  }
0x111: {  	[sflag:s17] =	ssyncset.done $0x0  }
0x112: {  	[sflag:s17] =	ssyncadd.s32 $0xFFFFE000  }
0x113: {  	_ =	swait.ge [sflag:s17], $0x2000  }
0x114: {  	[sflag:s17] =	ssyncset.done $0x0  }
0x115: {  	[sflag:s17] =	ssyncadd.s32 $0xFFFFE000  }
0x116: {  	_ =	swait.ge [sflag:s17], $0x2000  }
0x117: {  	[sflag:s17] =	ssyncset.done $0x0  }
0x118: {  	[sflag:s17] =	ssyncadd.s32 $0xFFFFE000  }
0x119: {  	_ =	swait.ge [sflag:s19], $0x8000  }
0x11a: {  	[sflag:s19] =	ssyncset.done $0x0  }
0x11b: {  	s25 =	sld [smem:$0x7F5];
	[sflag:s19] =	ssyncadd.s32 $0xFFFF8000  }
0x11c: {  	[tilespmem:s13], [sflag:$0x1] =	stream.indirect.gather [hbm4b:s11+s12], $0x40, s7, s12, $0xb8;
	[tilespmem:$0x18C00] =	vst v63  }
0x11d: {  	s26 =	sld [smem:$0x7F6]  }
0x11e: {  	[tilespmem:s14], [sflag:$0x1] =	stream.indirect.gather [hbm4b:s11+s12], $0x40, s25, s12, $0xb8;
	[tilespmem:$0x18C00] =	vst v63  }
0x11f: {  	s28 =	sld [smem:$0x7F7]  }
0x120: {  	[tilespmem:s15], [sflag:$0x1] =	stream.indirect.gather [hbm4b:s11+s12], $0x40, s26, s12, $0xb8;
	[tilespmem:$0x18C00] =	vst v63  }
0x121: {  	_ = 	snop  }
0x122: {  	[tilespmem:s16], [sflag:$0x1] =	stream.indirect.gather [hbm4b:s11+s12], $0x40, s28, s12, $0xb8;
	[tilespmem:$0x18C00] =	vst v63  }
0x123: {  	s29 =	rddreg [dreg:$0x15]  }
0x124: {  	[hbm4b:s29+s4] =	stream.linear.scatter [tilespmem:s18], [sflag:$0x2], $0x8000, $0x38;
	[tilespmem:$0x18C00] =	vst v63  }
0x125: {  	_ =	swait.ge [sflag:s17], $0x2000  }
0x126: {  	[sflag:s17] =	ssyncset.done $0x0  }
0x127: {  	[sflag:s17] =	ssyncadd.s32 $0xFFFFE000  }
0x128: {  	_ =	swait.ge [sflag:s17], $0x2000  }
0x129: {  	[sflag:s17] =	ssyncset.done $0x0  }
0x12a: {  	[sflag:s17] =	ssyncadd.s32 $0xFFFFE000  }
0x12b: {  	_ =	swait.ge [sflag:s17], $0x2000  }
0x12c: {  	[sflag:s17] =	ssyncset.done $0x0  }
0x12d: {  	[sflag:s17] =	ssyncadd.s32 $0xFFFFE000  }
0x12e: {  	_ =	swait.ge [sflag:s17], $0x2000  }
0x12f: {  	[sflag:s17] =	ssyncset.done $0x0  }
0x130: {  	[sflag:s17] =	ssyncadd.s32 $0xFFFFE000  }
0x131: {  	_ =	swait.ge [sflag:s19], $0x8000  }
0x132: {  	[sflag:s19] =	ssyncset.done $0x0  }
0x133: {  	s25 =	sld [smem:$0x7F8];
	[sflag:s19] =	ssyncadd.s32 $0xFFFF8000  }
0x134: {  	[tilespmem:s20], [sflag:$0x1] =	stream.indirect.gather [hbm4b:s0+s12], $0x20, s8, s12, $0xb8;
	[tilespmem:$0x18C00] =	vst v63  }
0x135: {  	s26 =	sld [smem:$0x7F9]  }
0x136: {  	[tilespmem:s21], [sflag:$0x1] =	stream.indirect.gather [hbm4b:s0+s12], $0x20, s25, s12, $0xb8;
	[tilespmem:$0x18C00] =	vst v63  }
0x137: {  	s28 =	sld [smem:$0x7FA]  }
0x138: {  	[tilespmem:s22], [sflag:$0x1] =	stream.indirect.gather [hbm4b:s0+s12], $0x20, s26, s12, $0xb8;
	[tilespmem:$0x18C00] =	vst v63  }
0x139: {  	_ = 	snop  }
0x13a: {  	[tilespmem:s23], [sflag:$0x1] =	stream.indirect.gather [hbm4b:s0+s12], $0x20, s28, s12, $0xb8;
	[tilespmem:$0x18C00] =	vst v63  }
0x13b: {  	s29 =	rddreg [dreg:$0x16]  }
0x13c: {  	[hbm4b:s29+s4] =	stream.linear.scatter [tilespmem:s13], [sflag:$0x2], $0x8000, $0x38;
	[tilespmem:$0x18C00] =	vst v63  }
0x13d: {  	_ =	swait.ge [sflag:s17], $0x1000  }
0x13e: {  	[sflag:s17] =	ssyncset.done $0x0  }
0x13f: {  	[sflag:s17] =	ssyncadd.s32 $0xFFFFF000  }
0x140: {  	_ =	swait.ge [sflag:s17], $0x1000  }
0x141: {  	[sflag:s17] =	ssyncset.done $0x0  }
0x142: {  	[sflag:s17] =	ssyncadd.s32 $0xFFFFF000  }
0x143: {  	_ =	swait.ge [sflag:s17], $0x1000  }
0x144: {  	[sflag:s17] =	ssyncset.done $0x0  }
0x145: {  	[sflag:s17] =	ssyncadd.s32 $0xFFFFF000  }
0x146: {  	_ =	swait.ge [sflag:s17], $0x1000  }
0x147: {  	[sflag:s17] =	ssyncset.done $0x0  }
0x148: {  	[sflag:s17] =	ssyncadd.s32 $0xFFFFF000  }
0x149: {  	_ =	swait.ge [sflag:s19], $0x8000  }
0x14a: {  	[sflag:s19] =	ssyncset.done $0x0;
	s26 =	sld [smem:$0x7FB]  }
0x14b: {  	s28 =	sld [smem:$0x7FC];
	[sflag:s19] =	ssyncadd.s32 $0xFFFF8000  }
0x14c: {  	[tilespmem:s24], [sflag:$0x1] =	stream.indirect.gather [hbm4b:s1+s12], $0x20, s9, s12, $0xb8;
	[tilespmem:$0x18C00] =	vst v63  }
0x14d: {  	s29 =	sld [smem:$0x7FD]  }
0x14e: {  	[tilespmem:s26], [sflag:$0x1] =	stream.indirect.gather [hbm4b:s1+s12], $0x20, s28, s12, $0xb8;
	[tilespmem:$0x18C00] =	vst v63  }
0x14f: {  	s25 =	simm.s32 $0x16C00  }
0x150: {  	[tilespmem:s25], [sflag:$0x1] =	stream.indirect.gather [hbm4b:s1+s12], $0x20, s29, s12, $0xb8;
	[tilespmem:$0x18C00] =	vst v63  }
0x151: {  	s28 =	simm.s32 $0x980;
	s29 =	simm.s32 $0x17C00  }
0x152: {  	[tilespmem:s29], [sflag:$0x1] =	stream.indirect.gather [hbm4b:s1+s12], $0x20, s28, s12, $0xb8;
	[tilespmem:$0x18C00] =	vst v63  }
0x153: {  	s2 =	rddreg [dreg:$0x17]  }
0x154: {  	[hbm4b:s2+s4] =	stream.linear.scatter [tilespmem:s20], [sflag:$0x2], $0x4000, $0x38;
	[tilespmem:$0x18C00] =	vst v63  }
0x155: {  	_ =	swait.ge [sflag:s17], $0x1000  }
0x156: {  	[sflag:s17] =	ssyncset.done $0x0  }
0x157: {  	[sflag:s17] =	ssyncadd.s32 $0xFFFFF000  }
0x158: {  	_ =	swait.ge [sflag:s17], $0x1000  }
0x159: {  	[sflag:s17] =	ssyncset.done $0x0  }
0x15a: {  	[sflag:s17] =	ssyncadd.s32 $0xFFFFF000  }
0x15b: {  	_ =	swait.ge [sflag:s17], $0x1000  }
0x15c: {  	[sflag:s17] =	ssyncset.done $0x0  }
0x15d: {  	[sflag:s17] =	ssyncadd.s32 $0xFFFFF000  }
0x15e: {  	_ =	swait.ge [sflag:s17], $0x1000  }
0x15f: {  	[sflag:s17] =	ssyncset.done $0x0  }
0x160: {  	[sflag:s17] =	ssyncadd.s32 $0xFFFFF000  }
0x161: {  	_ =	swait.ge [sflag:s19], $0x4000  }
0x162: {  	[sflag:s19] =	ssyncset.done $0x0  }
0x163: {  	[sflag:s19] =	ssyncadd.s32 $0xFFFFC000  }
0x164: {  	[tilespmem:s20], [sflag:$0x1] =	stream.indirect.gather [hbm4b:s1+s12], $0x20, s10, s12, $0xb8;
	[tilespmem:$0x18C00] =	vst v63  }
0x165: {  	s26 =	simm.s32 $0xA80  }
0x166: {  	[tilespmem:s21], [sflag:$0x1] =	stream.indirect.gather [hbm4b:s1+s12], $0x20, s26, s12, $0xb8;
	[tilespmem:$0x18C00] =	vst v63  }
0x167: {  	_ = 	snop  }
0x168: {  	[tilespmem:s22], [sflag:$0x1] =	stream.indirect.gather [hbm4b:s1+s12], $0x20, s30, s12, $0xb8;
	[tilespmem:$0x18C00] =	vst v63  }
0x169: {  	_ = 	snop  }
0x16a: {  	[tilespmem:s23], [sflag:$0x1] =	stream.indirect.gather [hbm4b:s1+s12], $0x20, s31, s12, $0xb8;
	[tilespmem:$0x18C00] =	vst v63  }
0x16b: {  	s28 =	rddreg [dreg:$0x18]  }
0x16c: {  	[hbm4b:s28+s4] =	stream.linear.scatter [tilespmem:s24], [sflag:$0x2], $0x4000, $0x38;
	[tilespmem:$0x18C00] =	vst v63  }
0x16d: {  	_ =	swait.ge [sflag:s17], $0x1000  }
0x16e: {  	[sflag:s17] =	ssyncset.done $0x0  }
0x16f: {  	[sflag:s17] =	ssyncadd.s32 $0xFFFFF000  }
0x170: {  	_ =	swait.ge [sflag:s17], $0x1000  }
0x171: {  	[sflag:s17] =	ssyncset.done $0x0  }
0x172: {  	[sflag:s17] =	ssyncadd.s32 $0xFFFFF000  }
0x173: {  	_ =	swait.ge [sflag:s17], $0x1000  }
0x174: {  	[sflag:s17] =	ssyncset.done $0x0  }
0x175: {  	[sflag:s17] =	ssyncadd.s32 $0xFFFFF000  }
0x176: {  	_ =	swait.ge [sflag:s17], $0x1000  }
0x177: {  	p0 =	sne.s32 s3, $0x1;
	[sflag:s17] =	ssyncset.done $0x0  }
.Ltmp1:
0x178: {  	[sflag:s17] =	ssyncadd.s32 $0xFFFFF000;
	(pc) =	sbr.rel @p0 .LBB2_1-.Ltmp1, $4  }
0x179: {  	_ =	swait.ge [sflag:s19], $0x4000  }
0x17a: {  	[sflag:s19] =	ssyncset.done $0x0  }
0x17b: {  	s3 =	sadd.s32 $0xFFFFFFFF, s3;
	s29 =	rddreg [dreg:$0x19];
	[sflag:s19] =	ssyncadd.s32 $0xFFFFC000  }
0x17c: {  	[hbm4b:s29+s4] =	stream.linear.scatter [tilespmem:s20], [sflag:$0x2], $0x4000, $0x38;
	[tilespmem:$0x18C00] =	vst v63  }
.LBB2_2:
0x17d: {  	_ =	swait.ge [sflag:s19], $0x4000  }
0x17e: {  	[sflag:s19] =	ssyncset.done $0x0  }
0x17f: {  	[sflag:s19] =	ssyncadd.s32 $0xFFFFC000  }
0x180: {  	_ =	sfence.sel $0x180000  }
0x181: {  	[bflag:$0x0] =	sbarrier.arrive $0xFFFF  }
0x182: {  	_ =	strace $0x90000047  }
0x183: {  	s0 =	stileid.u32;
	[bflag:$0x2] =	sbarrier.arrive $0xFFFF  }
0x184: {  	p0 =	sne.s32 s0, $0x0;
	s0 =	rddreg [dreg:$0xd]  }
0x185: {  	s0 =	sadd.s32 @!p0 $0x100000, s0  }
0x186: {  	[sflag:s0] =	ssyncadd.tile.s32 @!p0 $0x1;
	_ =	shalt  }
.Lfunc_end2:
_tile_overlayer_lowered:
.L_overlay_start_2:
0x187: {  	(tag) =	ssettag $0x2  }
0x188: {  	s0 =	rddreg [dreg:$0x0];
	s2 =	stileid.u32  }
0x189: {  	s1 =	rddreg [dreg:$0x1];
	p0 =	sne.s32 s2, $0x0  }
0x18a: {  	s3 =	rddreg [dreg:$0x2];
	[bflag:$0x3] =	sbarrier.arrive $0xFFFF;
	s2 =	simm.s32 @!p0 $0x1C03  }
0x18b: {  	[timem:s3], [sflag:s2] =	dma.local @!p0 [hbm:s0], s1  }
0x18c: {  	s0 =	simm.s32 @!p0 $0x3  }
0x18d: {  	_ =	swait.ge @!p0 [sflag:s0], s1  }
0x18e: {  	s1 =	ssub.s32 @!p0 $0x0, s1;
	[sflag:s0] =	ssyncset.done @!p0 $0x0  }
0x18f: {  	[sflag:s0] =	ssyncadd.s32 @!p0 s1  }
0x190: {  	[bflag:$0x3] =	sbarrier.arrive $0xFFFF  }
0x191: {  	_ =	shalt  }

</sc_bundles>
